<compile_context>
chip_gen: v7x
topology: tpu7x:2x2x1
jax: 0.10.2.dev20260603
libtpu: 0.0.44.dev20260713+nightly
codegen_flags: <defaults>
</compile_context>

<pallas_src>
import functools

import jax
import jax.numpy as jnp
from jax import lax
from jax.experimental import pallas as pl
from jax.experimental.pallas import tpu as pltpu
from jax.experimental.pallas import tpu_sc as plsc

NC = 2
NS = 16
NW = NC * NS
CHUNK = 128
BLK = 2000


def _mesh():
    return plsc.VectorSubcoreMesh(core_axis_name="c", subcore_axis_name="s")


def _worker_chunks(wid, base_cnt, nx):
    base = base_cnt * wid + 2 * jnp.maximum(wid - nx, 0)
    count = base_cnt + 2 * (wid >= nx).astype(jnp.int32)
    return base, count


def _deg_kernel(n, base_cnt, nx):
    @functools.partial(
        pl.kernel,
        out_type=jax.ShapeDtypeStruct((NC, n), jnp.float32),
        mesh=_mesh(),
        scratch_types=[
            pltpu.VMEM((CHUNK,), jnp.int32),
            pltpu.VMEM((CHUNK,), jnp.int32),
            pltpu.VMEM((CHUNK,), jnp.float32),
            pltpu.VMEM_SHARED((n,), jnp.float32),
            pltpu.SemaphoreType.DMA,
            pltpu.SemaphoreType.DMA,
        ],
    )
    def deg(ei, zeros1, out, ib0, ib1, ones_v, acc, is0, is1):
        c = lax.axis_index("c")
        s = lax.axis_index("s")
        wid = s * NC + c
        base, count = _worker_chunks(wid, base_cnt, nx)
        for i in range(CHUNK // 16):
            ones_v[pl.ds(i * 16, 16)] = jnp.full((16,), 1.0, jnp.float32)

        @pl.when(s == 0)
        def _():
            pltpu.sync_copy(zeros1, acc)

        plsc.subcore_barrier()
        ibs = (ib0, ib1)
        sems = (is0, is1)

        def dst_chunk(k):
            return ei.at[1, pl.ds((base + k) * CHUNK, CHUNK)]

        pltpu.async_copy(dst_chunk(0), ib0, is0)
        pltpu.async_copy(dst_chunk(1), ib1, is1)

        def pair(k2, carry):
            for j in range(2):
                k = k2 * 2 + j
                ib, sem = ibs[j], sems[j]
                pltpu.make_async_copy(dst_chunk(k), ib, sem).wait()
                pltpu.sync_copy(ones_v, acc.at[ib], add=True)

                @pl.when(k + 2 < count)
                def _():
                    pltpu.async_copy(dst_chunk(k + 2), ib, sem)

            return carry

        lax.fori_loop(0, count // 2, pair, 0)
        plsc.subcore_barrier()

        @pl.when(s == 0)
        def _():
            pltpu.sync_copy(acc, out.at[c])

    return deg


def _edge_kernel(n, d, base_cnt, nx):
    @functools.partial(
        pl.kernel,
        out_type=jax.ShapeDtypeStruct((NC, n, d), jnp.float32),
        mesh=_mesh(),
        scratch_types=[
            pltpu.VMEM((CHUNK,), jnp.int32),
            pltpu.VMEM((CHUNK,), jnp.int32),
            pltpu.VMEM((CHUNK,), jnp.int32),
            pltpu.VMEM((CHUNK,), jnp.int32),
            pltpu.VMEM((CHUNK, d), jnp.float32),
            pltpu.VMEM((CHUNK, d), jnp.float32),
            pltpu.VMEM_SHARED((n, d), jnp.float32),
            pltpu.SemaphoreType.DMA,
            pltpu.SemaphoreType.DMA,
            pltpu.SemaphoreType.DMA,
            pltpu.SemaphoreType.DMA,
            pltpu.SemaphoreType.DMA,
            pltpu.SemaphoreType.DMA,
            pltpu.SemaphoreType.DMA,
            pltpu.SemaphoreType.DMA,
        ],
    )
    def edge(ei, g_hbm, zeros2, out, sib0, sib1, dib0, dib1, rows0, rows1,
             acc, ss0, ss1, ds0, ds1, gs0, gs1, ws0, ws1):
        c = lax.axis_index("c")
        s = lax.axis_index("s")
        wid = s * NC + c
        base, count = _worker_chunks(wid, base_cnt, nx)
        rpt = n // 10

        @pl.when(s < 10)
        def _():
            pltpu.sync_copy(zeros2.at[pl.ds(s * rpt, rpt)],
                            acc.at[pl.ds(s * rpt, rpt)])

        plsc.subcore_barrier()
        sibs = (sib0, sib1)
        dibs = (dib0, dib1)
        ssems = (ss0, ss1)
        dsems = (ds0, ds1)
        rows = (rows0, rows1)
        gsems = (gs0, gs1)

        def src_chunk(k):
            return ei.at[0, pl.ds((base + k) * CHUNK, CHUNK)]

        def dst_chunk(k):
            return ei.at[1, pl.ds((base + k) * CHUNK, CHUNK)]

        pltpu.async_copy(src_chunk(0), sib0, ss0)
        pltpu.async_copy(src_chunk(1), sib1, ss1)
        pltpu.async_copy(dst_chunk(0), dib0, ds0)
        pltpu.make_async_copy(src_chunk(0), sib0, ss0).wait()
        pltpu.async_copy(g_hbm.at[sib0], rows0, gs0)
        wsems = (ws0, ws1)

        def pair(k2, carry):
            for j in range(2):
                k = k2 * 2 + j
                o = 1 - j
                pltpu.make_async_copy(g_hbm.at[sibs[j]], rows[j],
                                      gsems[j]).wait()
                pltpu.make_async_copy(dst_chunk(k), dibs[j], dsems[j]).wait()
                pltpu.async_copy(rows[j], acc.at[dibs[j]], wsems[j], add=True)

                @pl.when(k + 2 < count)
                def _():
                    pltpu.async_copy(src_chunk(k + 2), sibs[j], ssems[j])

                @pl.when(k >= 1)
                def _():
                    pltpu.make_async_copy(rows[o], acc.at[dibs[o]],
                                          wsems[o]).wait()

                @pl.when(k + 1 < count)
                def _():
                    pltpu.async_copy(dst_chunk(k + 1), dibs[o], dsems[o])
                    pltpu.make_async_copy(src_chunk(k + 1), sibs[o],
                                          ssems[o]).wait()
                    pltpu.async_copy(g_hbm.at[sibs[o]], rows[o], gsems[o])

            return carry

        lax.fori_loop(0, count // 2, pair, 0)
        pltpu.make_async_copy(rows1, acc.at[dib1], wsems[1]).wait()
        plsc.subcore_barrier()

        @pl.when(s < 10)
        def _():
            pltpu.sync_copy(acc.at[pl.ds(s * rpt, rpt)],
                            out.at[c, pl.ds(s * rpt, rpt)])

    return edge


def _scale_body(xr, wr, degr, gr):
    dinv = lax.rsqrt(degr[0] + degr[1] + 1.0)
    h = jnp.dot(xr[...], wr[...], preferred_element_type=jnp.float32)
    gr[...] = h * dinv


def _scale_kernel(n, d):
    return pl.pallas_call(
        _scale_body,
        grid=(n // BLK,),
        in_specs=[
            pl.BlockSpec((BLK, d), lambda i: (i, 0)),
            pl.BlockSpec((d, d), lambda i: (0, 0)),
            pl.BlockSpec((NC, BLK, 1), lambda i: (0, i, 0)),
        ],
        out_specs=pl.BlockSpec((BLK, d), lambda i: (i, 0)),
        out_shape=jax.ShapeDtypeStruct((n, d), jnp.float32),
    )


def _combine_body(pr, gr, degr, br, outr):
    dinv = lax.rsqrt(degr[0] + degr[1] + 1.0)
    acc = pr[0] + pr[1] + gr[...]
    outr[...] = jnp.maximum(dinv * acc + br[...], 0.0)


def _combine_kernel(n, d):
    return pl.pallas_call(
        _combine_body,
        grid=(n // BLK,),
        in_specs=[
            pl.BlockSpec((NC, BLK, d), lambda i: (0, i, 0)),
            pl.BlockSpec((BLK, d), lambda i: (i, 0)),
            pl.BlockSpec((NC, BLK, 1), lambda i: (0, i, 0)),
            pl.BlockSpec((1, d), lambda i: (0, 0)),
        ],
        out_specs=pl.BlockSpec((BLK, d), lambda i: (i, 0)),
        out_shape=jax.ShapeDtypeStruct((n, d), jnp.float32),
    )


def kernel(x, edge_index, W, b):
    n, d = x.shape
    e = edge_index.shape[1]
    assert e % CHUNK == 0 and n % BLK == 0
    chunks = e // CHUNK
    base_cnt = (chunks // NW) & ~1
    extra = chunks - base_cnt * NW
    assert extra % 2 == 0 and extra // 2 <= NW
    nx = NW - extra // 2
    zeros1 = jnp.zeros((n,), jnp.float32)
    zeros2 = jnp.zeros((n, d), jnp.float32)

    degp = _deg_kernel(n, base_cnt, nx)(edge_index, zeros1)
    degp3 = degp.reshape(NC, n, 1)
    g = _scale_kernel(n, d)(x, W, degp3)
    p = _edge_kernel(n, d, base_cnt, nx)(edge_index, g, zeros2)
    return _combine_kernel(n, d)(p, g, degp3, b.reshape(1, d))

# --- scband reference (transcript-rebuilt; emitter-appended) ---
"""Pipeline reference for scband-gcn1-layers-4329327034970 (READ-ONLY COPY).

The authoritative reference and input builder live on the scoring server;
editing this copy changes nothing except your own understanding.
"""

import jax, jax.numpy as jnp
import numpy as np

N = 10000
E = 320000
D_IN = 128
D_OUT = 128


def setup_inputs(seed: int = 0) -> dict:
    key = jax.random.key(seed)
    k1, k2, k3 = jax.random.split(key, 3)
    x = jax.random.normal(k1, (N, D_IN), dtype=jnp.float32)
    edge_index = jax.random.randint(k2, (2, E), 0, N, dtype=jnp.int32)
    # GCNConv learned params (glorot-style init for weight, zeros for bias)
    W = jax.random.normal(k3, (D_IN, D_OUT), dtype=jnp.float32) * (1.0 / np.sqrt(D_IN))
    b = jnp.zeros((D_OUT,), dtype=jnp.float32)
    return {"x": x, "edge_index": edge_index, "W": W, "b": b}


def reference(x, edge_index, W, b):
    # Faithful GCNConv (torch_geometric default): add self-loops, symmetric
    # normalization D^{-1/2}(A+I)D^{-1/2}, linear transform, scatter-add, bias.
    n = x.shape[0]
    src = edge_index[0]
    dst = edge_index[1]
    loop = jnp.arange(n, dtype=src.dtype)
    src = jnp.concatenate([src, loop])
    dst = jnp.concatenate([dst, loop])
    # degree (with self-loops) computed on destination nodes
    deg = jnp.zeros((n,), dtype=x.dtype).at[dst].add(1.0)
    deg_inv_sqrt = jnp.where(deg > 0, 1.0 / jnp.sqrt(deg), 0.0)
    norm = deg_inv_sqrt[src] * deg_inv_sqrt[dst]
    # transform then propagate
    h = x @ W
    msg = h[src] * norm[:, None]
    out = jax.ops.segment_sum(msg, dst, num_segments=n)
    out = out + b
    # forward of GCN1Layers applies relu after conv1
    return jax.nn.relu(out)

if __name__ == "__main__":
    import jax
    _d = setup_inputs()
    print(jax.jit(kernel)(*tuple(_d.values())))

</pallas_src>

<mosaic_0001>
#map = affine_map<(d0, d1) -> (0, 0)>
#map1 = affine_map<(d0, d1) -> (0, 0, 0)>
module attributes {stable_mosaic.version = 14 : i64} {
  func.func @edge(%arg0: i32, %arg1: i32, %arg2: memref<2x320000xi32, #tpu.memory_space<hbm>>, %arg3: memref<10000x128xf32, #tpu.memory_space<hbm>>, %arg4: memref<10000x128xf32, #tpu.memory_space<hbm>>, %arg5: memref<2x10000x128xf32, #tpu.memory_space<hbm>>, %arg6: memref<128xi32, #tpu.memory_space<vmem>>, %arg7: memref<128xi32, #tpu.memory_space<vmem>>, %arg8: memref<128xi32, #tpu.memory_space<vmem>>, %arg9: memref<128xi32, #tpu.memory_space<vmem>>, %arg10: memref<128x128xf32, #tpu.memory_space<vmem>>, %arg11: memref<128x128xf32, #tpu.memory_space<vmem>>, %arg12: memref<10000x128xf32, #tpu.memory_space<vmem_shared>>, %arg13: memref<!tpu.dma_semaphore, #tpu.memory_space<semaphore_mem>>, %arg14: memref<!tpu.dma_semaphore, #tpu.memory_space<semaphore_mem>>, %arg15: memref<!tpu.dma_semaphore, #tpu.memory_space<semaphore_mem>>, %arg16: memref<!tpu.dma_semaphore, #tpu.memory_space<semaphore_mem>>, %arg17: memref<!tpu.dma_semaphore, #tpu.memory_space<semaphore_mem>>, %arg18: memref<!tpu.dma_semaphore, #tpu.memory_space<semaphore_mem>>, %arg19: memref<!tpu.dma_semaphore, #tpu.memory_space<semaphore_mem>>, %arg20: memref<!tpu.dma_semaphore, #tpu.memory_space<semaphore_mem>>) attributes {dimension_semantics = [#tpu.dimension_semantics<core_parallel>, #tpu.dimension_semantics<subcore_parallel>], iteration_bounds = array<i64: 2, 16>, scalar_prefetch = 0 : i64, scratch_operands = 15 : i64, tpu.core_type = #tpu.core_type<sc_vector_subcore>, window_params = [{transform_indices = #map}, {transform_indices = #map}, {transform_indices = #map}, {transform_indices = #map1}]} {
    %mul3A = arith.constant 2 : i32
    %mul3A_0 = arith.muli %arg1, %mul3A : i32
    %add3A = arith.addi %mul3A_0, %arg0 : i32
    %mul3A_1 = arith.constant 78 : i32
    %mul3A_2 = arith.muli %mul3A_1, %add3A : i32
    %sub3A = arith.constant 30 : i32
    %sub3A_3 = arith.subi %add3A, %sub3A : i32
    %max3A = arith.constant 0 : i32
    %max3A_4 = arith.maxsi %sub3A_3, %max3A : i32
    %mul3A_5 = arith.constant 2 : i32
    %mul3A_6 = arith.muli %mul3A_5, %max3A_4 : i32
    %add3A_7 = arith.addi %mul3A_2, %mul3A_6 : i32
    %ge3A = arith.constant 30 : i32
    %ge3A_8 = arith.cmpi sge, %add3A, %ge3A : i32
    %convert_element_type3A = arith.extui %ge3A_8 : i1 to i32
    %mul3A_9 = arith.constant 2 : i32
    %mul3A_10 = arith.muli %mul3A_9, %convert_element_type3A : i32
    %add3A_11 = arith.constant 78 : i32
    %add3A_12 = arith.addi %add3A_11, %mul3A_10 : i32
    %lt3A = arith.constant 10 : i32
    %lt3A_13 = arith.cmpi slt, %arg1, %lt3A : i32
    %convert_element_type3A_14 = arith.extui %lt3A_13 : i1 to i32
    %cond3A = arith.constant 0 : i32
    %cond3A_15 = arith.cmpi ne, %convert_element_type3A_14, %cond3A : i32
    scf.if %cond3A_15 {
      %mul3A_88 = arith.constant 1000 : i32
      %mul3A_89 = arith.muli %arg1, %mul3A_88 : i32
      %mul3A_90 = arith.constant 1000 : i32
      %mul3A_91 = arith.muli %arg1, %mul3A_90 : i32
      "tpu.region"() ({
        %run_scoped3A = tpu.sem_alloc : memref<!tpu.dma_semaphore, #tpu.memory_space<semaphore_mem>>
        %dma_start3A_92 = arith.constant 0 : i32
        %dma_start3A_93 = tpu.memref_slice %arg12[%mul3A_91, %dma_start3A_92] : memref<10000x128xf32, #tpu.memory_space<vmem_shared>> -> memref<1000x128xf32, #tpu.memory_space<vmem_shared>>
        %dma_start3A_94 = arith.constant 0 : i32
        %dma_start3A_95 = tpu.memref_slice %arg4[%mul3A_89, %dma_start3A_94] : memref<10000x128xf32, #tpu.memory_space<hbm>> -> memref<1000x128xf32, #tpu.memory_space<hbm>>
        tpu.enqueue_dma source(%dma_start3A_95 : memref<1000x128xf32, #tpu.memory_space<hbm>>) target(%dma_start3A_93 : memref<1000x128xf32, #tpu.memory_space<vmem_shared>>) target_semaphore(%run_scoped3A : memref<!tpu.dma_semaphore, #tpu.memory_space<semaphore_mem>>)
        %dma_wait3A_96 = arith.constant 0 : i32
        %dma_wait3A_97 = tpu.memref_slice %arg12[%mul3A_91, %dma_wait3A_96] : memref<10000x128xf32, #tpu.memory_space<vmem_shared>> -> memref<1000x128xf32, #tpu.memory_space<vmem_shared>>
        %dma_wait3A_98 = arith.constant 0 : i32
        %dma_wait3A_99 = tpu.memref_slice %arg4[%mul3A_89, %dma_wait3A_98] : memref<10000x128xf32, #tpu.memory_space<hbm>> -> memref<1000x128xf32, #tpu.memory_space<hbm>>
        tpu.wait_dma2 semaphore(%run_scoped3A : memref<!tpu.dma_semaphore, #tpu.memory_space<semaphore_mem>>) src(%dma_wait3A_99 : memref<1000x128xf32, #tpu.memory_space<hbm>>) dst(%dma_wait3A_97 : memref<1000x128xf32, #tpu.memory_space<vmem_shared>>)
        tpu.yield
      }) : () -> ()
    } else {
    }
    %barrier3A = arith.constant 0 : index
    tpu.barrier barrier_id(%barrier3A)
    %add3A_16 = arith.constant 0 : i32
    %add3A_17 = arith.addi %add3A_7, %add3A_16 : i32
    %mul3A_18 = arith.constant 128 : i32
    %mul3A_19 = arith.muli %add3A_17, %mul3A_18 : i32
    %dma_start3A = arith.constant 0 : i32
    %dma_start3A_20 = tpu.memref_slice %arg2[%dma_start3A, %mul3A_19] : memref<2x320000xi32, #tpu.memory_space<hbm>> -> memref<1x128xi32, #tpu.memory_space<hbm>>
    %dma_start3A_21 = tpu.memref_squeeze %dma_start3A_20 : memref<1x128xi32, #tpu.memory_space<hbm>> -> memref<128xi32, #tpu.memory_space<hbm>>
    %dma_start3A_22 = tpu.memref_slice %arg2[%dma_start3A, %mul3A_19] : memref<2x320000xi32, #tpu.memory_space<hbm>> -> memref<1x128xi32, #tpu.memory_space<hbm>>
    %dma_start3A_23 = tpu.memref_squeeze %dma_start3A_22 : memref<1x128xi32, #tpu.memory_space<hbm>> -> memref<128xi32, #tpu.memory_space<hbm>>
    tpu.enqueue_dma source(%dma_start3A_23 : memref<128xi32, #tpu.memory_space<hbm>>) target(%arg6 : memref<128xi32, #tpu.memory_space<vmem>>) target_semaphore(%arg13 : memref<!tpu.dma_semaphore, #tpu.memory_space<semaphore_mem>>)
    %add3A_24 = arith.constant 1 : i32
    %add3A_25 = arith.addi %add3A_7, %add3A_24 : i32
    %mul3A_26 = arith.constant 128 : i32
    %mul3A_27 = arith.muli %add3A_25, %mul3A_26 : i32
    %dma_start3A_28 = arith.constant 0 : i32
    %dma_start3A_29 = tpu.memref_slice %arg2[%dma_start3A_28, %mul3A_27] : memref<2x320000xi32, #tpu.memory_space<hbm>> -> memref<1x128xi32, #tpu.memory_space<hbm>>
    %dma_start3A_30 = tpu.memref_squeeze %dma_start3A_29 : memref<1x128xi32, #tpu.memory_space<hbm>> -> memref<128xi32, #tpu.memory_space<hbm>>
    %dma_start3A_31 = tpu.memref_slice %arg2[%dma_start3A_28, %mul3A_27] : memref<2x320000xi32, #tpu.memory_space<hbm>> -> memref<1x128xi32, #tpu.memory_space<hbm>>
    %dma_start3A_32 = tpu.memref_squeeze %dma_start3A_31 : memref<1x128xi32, #tpu.memory_space<hbm>> -> memref<128xi32, #tpu.memory_space<hbm>>
    tpu.enqueue_dma source(%dma_start3A_32 : memref<128xi32, #tpu.memory_space<hbm>>) target(%arg7 : memref<128xi32, #tpu.memory_space<vmem>>) target_semaphore(%arg14 : memref<!tpu.dma_semaphore, #tpu.memory_space<semaphore_mem>>)
    %add3A_33 = arith.constant 0 : i32
    %add3A_34 = arith.addi %add3A_7, %add3A_33 : i32
    %mul3A_35 = arith.constant 128 : i32
    %mul3A_36 = arith.muli %add3A_34, %mul3A_35 : i32
    %dma_start3A_37 = arith.constant 1 : i32
    %dma_start3A_38 = tpu.memref_slice %arg2[%dma_start3A_37, %mul3A_36] : memref<2x320000xi32, #tpu.memory_space<hbm>> -> memref<1x128xi32, #tpu.memory_space<hbm>>
    %dma_start3A_39 = tpu.memref_squeeze %dma_start3A_38 : memref<1x128xi32, #tpu.memory_space<hbm>> -> memref<128xi32, #tpu.memory_space<hbm>>
    %dma_start3A_40 = tpu.memref_slice %arg2[%dma_start3A_37, %mul3A_36] : memref<2x320000xi32, #tpu.memory_space<hbm>> -> memref<1x128xi32, #tpu.memory_space<hbm>>
    %dma_start3A_41 = tpu.memref_squeeze %dma_start3A_40 : memref<1x128xi32, #tpu.memory_space<hbm>> -> memref<128xi32, #tpu.memory_space<hbm>>
    tpu.enqueue_dma source(%dma_start3A_41 : memref<128xi32, #tpu.memory_space<hbm>>) target(%arg8 : memref<128xi32, #tpu.memory_space<vmem>>) target_semaphore(%arg15 : memref<!tpu.dma_semaphore, #tpu.memory_space<semaphore_mem>>)
    %add3A_42 = arith.constant 0 : i32
    %add3A_43 = arith.addi %add3A_7, %add3A_42 : i32
    %mul3A_44 = arith.constant 128 : i32
    %mul3A_45 = arith.muli %add3A_43, %mul3A_44 : i32
    %dma_wait3A = arith.constant 0 : i32
    %dma_wait3A_46 = tpu.memref_slice %arg2[%dma_wait3A, %mul3A_45] : memref<2x320000xi32, #tpu.memory_space<hbm>> -> memref<1x128xi32, #tpu.memory_space<hbm>>
    %dma_wait3A_47 = tpu.memref_squeeze %dma_wait3A_46 : memref<1x128xi32, #tpu.memory_space<hbm>> -> memref<128xi32, #tpu.memory_space<hbm>>
    %dma_wait3A_48 = tpu.memref_slice %arg2[%dma_wait3A, %mul3A_45] : memref<2x320000xi32, #tpu.memory_space<hbm>> -> memref<1x128xi32, #tpu.memory_space<hbm>>
    %dma_wait3A_49 = tpu.memref_squeeze %dma_wait3A_48 : memref<1x128xi32, #tpu.memory_space<hbm>> -> memref<128xi32, #tpu.memory_space<hbm>>
    tpu.wait_dma2 semaphore(%arg13 : memref<!tpu.dma_semaphore, #tpu.memory_space<semaphore_mem>>) src(%dma_wait3A_49 : memref<128xi32, #tpu.memory_space<hbm>>) dst(%arg6 : memref<128xi32, #tpu.memory_space<vmem>>)
    %dma_start3A_50 = arith.constant 0 : i32
    %dma_start3A_51 = arith.constant 0 : i32
    %dma_start3A_52 = tpu.memref_slice %arg3[%dma_start3A_50, %dma_start3A_51] : memref<10000x128xf32, #tpu.memory_space<hbm>> -> memref<10000x128xf32, #tpu.memory_space<hbm>>
    tpu.enqueue_indirect_dma source(%dma_start3A_52 : memref<10000x128xf32, #tpu.memory_space<hbm>>) target(%arg10 : memref<128x128xf32, #tpu.memory_space<vmem>>) offsets(%arg6 : memref<128xi32, #tpu.memory_space<vmem>>) semaphore(%arg17 : memref<!tpu.dma_semaphore, #tpu.memory_space<semaphore_mem>>)
    %jit3A = arith.constant 2 : i32
    %div3A = arith.divsi %add3A_12, %jit3A : i32
    %sign3A = arith.constant 0 : i32
    %sign3A_53 = arith.cmpi sgt, %add3A_12, %sign3A : i32
    %sign3A_54 = arith.extui %sign3A_53 : i1 to i32
    %sign3A_55 = arith.constant 0 : i32
    %sign3A_56 = arith.cmpi slt, %add3A_12, %sign3A_55 : i32
    %sign3A_57 = arith.extui %sign3A_56 : i1 to i32
    %sign3A_58 = arith.subi %sign3A_54, %sign3A_57 : i32
    %sign3A_59 = arith.constant 0 : i32
    %sign3A_60 = arith.cmpi sgt, %jit3A, %sign3A_59 : i32
    %sign3A_61 = arith.extui %sign3A_60 : i1 to i32
    %sign3A_62 = arith.constant 0 : i32
    %sign3A_63 = arith.cmpi slt, %jit3A, %sign3A_62 : i32
    %sign3A_64 = arith.extui %sign3A_63 : i1 to i32
    %sign3A_65 = arith.subi %sign3A_61, %sign3A_64 : i32
    %ne3A = arith.cmpi ne, %sign3A_58, %sign3A_65 : i32
    %rem3A = arith.remsi %add3A_12, %jit3A : i32
    %ne3A_66 = arith.constant 0 : i32
    %ne3A_67 = arith.cmpi ne, %rem3A, %ne3A_66 : i32
    %and3A = arith.andi %ne3A, %ne3A_67 : i1
    %sub3A_68 = arith.constant 1 : i32
    %sub3A_69 = arith.subi %div3A, %sub3A_68 : i32
    %select_n3A = arith.select %and3A, %sub3A_69, %div3A : i32
    %while3A = arith.constant 0 : i32
    %while3A_70 = arith.constant 0 : i32
    %while3A_71 = arith.subi %select_n3A, %while3A_70 : i32
    %while3A_72 = arith.addi %while3A_70, %while3A_71 : i32
    %while3A_73 = arith.constant 1 : i32
    %while3A_74 = arith.divsi %while3A_71, %while3A_73 : i32
    %while3A_75 = arith.muli %while3A_74, %while3A_73 : i32
    %while3A_76 = arith.addi %while3A_70, %while3A_75 : i32
    %while3A_77 = arith.constant 1 : i32
    scf.for %while3A_88 = %while3A_70 to %while3A_76 step %while3A_77  : i32 {
      %mul3A_89 = arith.constant 2 : i32
      %mul3A_90 = arith.muli %while3A_88, %mul3A_89 : i32
      %add3A_91 = arith.constant 0 : i32
      %add3A_92 = arith.addi %mul3A_90, %add3A_91 : i32
      %dma_wait3A_93 = arith.constant 0 : i32
      %dma_wait3A_94 = arith.constant 0 : i32
      %dma_wait3A_95 = tpu.memref_slice %arg3[%dma_wait3A_93, %dma_wait3A_94] : memref<10000x128xf32, #tpu.memory_space<hbm>> -> memref<10000x128xf32, #tpu.memory_space<hbm>>
      tpu.wait_indirect_dma semaphore(%arg17 : memref<!tpu.dma_semaphore, #tpu.memory_space<semaphore_mem>>) src(%dma_wait3A_95 : memref<10000x128xf32, #tpu.memory_space<hbm>>) dst(%arg10 : memref<128x128xf32, #tpu.memory_space<vmem>>)
      %add3A_96 = arith.addi %add3A_7, %add3A_92 : i32
      %mul3A_97 = arith.constant 128 : i32
      %mul3A_98 = arith.muli %add3A_96, %mul3A_97 : i32
      %dma_wait3A_99 = arith.constant 1 : i32
      %dma_wait3A_100 = tpu.memref_slice %arg2[%dma_wait3A_99, %mul3A_98] : memref<2x320000xi32, #tpu.memory_space<hbm>> -> memref<1x128xi32, #tpu.memory_space<hbm>>
      %dma_wait3A_101 = tpu.memref_squeeze %dma_wait3A_100 : memref<1x128xi32, #tpu.memory_space<hbm>> -> memref<128xi32, #tpu.memory_space<hbm>>
      %dma_wait3A_102 = tpu.memref_slice %arg2[%dma_wait3A_99, %mul3A_98] : memref<2x320000xi32, #tpu.memory_space<hbm>> -> memref<1x128xi32, #tpu.memory_space<hbm>>
      %dma_wait3A_103 = tpu.memref_squeeze %dma_wait3A_102 : memref<1x128xi32, #tpu.memory_space<hbm>> -> memref<128xi32, #tpu.memory_space<hbm>>
      tpu.wait_dma2 semaphore(%arg15 : memref<!tpu.dma_semaphore, #tpu.memory_space<semaphore_mem>>) src(%dma_wait3A_103 : memref<128xi32, #tpu.memory_space<hbm>>) dst(%arg8 : memref<128xi32, #tpu.memory_space<vmem>>)
      %dma_start3A_104 = arith.constant 0 : i32
      %dma_start3A_105 = arith.constant 0 : i32
      %dma_start3A_106 = tpu.memref_slice %arg12[%dma_start3A_104, %dma_start3A_105] : memref<10000x128xf32, #tpu.memory_space<vmem_shared>> -> memref<10000x128xf32, #tpu.memory_space<vmem_shared>>
      tpu.enqueue_indirect_dma source(%arg10 : memref<128x128xf32, #tpu.memory_space<vmem>>) target(%dma_start3A_106 : memref<10000x128xf32, #tpu.memory_space<vmem_shared>>) offsets(%arg8 : memref<128xi32, #tpu.memory_space<vmem>>) semaphore(%arg19 : memref<!tpu.dma_semaphore, #tpu.memory_space<semaphore_mem>>) {add = true}
      %add3A_107 = arith.constant 2 : i32
      %add3A_108 = arith.addi %add3A_92, %add3A_107 : i32
      %lt3A_109 = arith.cmpi slt, %add3A_108, %add3A_12 : i32
      %convert_element_type3A_110 = arith.extui %lt3A_109 : i1 to i32
      %cond3A_111 = arith.constant 0 : i32
      %cond3A_112 = arith.cmpi ne, %convert_element_type3A_110, %cond3A_111 : i32
      scf.if %cond3A_112 {
        %add3A_159 = arith.constant 2 : i32
        %add3A_160 = arith.addi %add3A_92, %add3A_159 : i32
        %add3A_161 = arith.addi %add3A_7, %add3A_160 : i32
        %mul3A_162 = arith.constant 128 : i32
        %mul3A_163 = arith.muli %add3A_161, %mul3A_162 : i32
        %dma_start3A_164 = arith.constant 0 : i32
        %dma_start3A_165 = tpu.memref_slice %arg2[%dma_start3A_164, %mul3A_163] : memref<2x320000xi32, #tpu.memory_space<hbm>> -> memref<1x128xi32, #tpu.memory_space<hbm>>
        %dma_start3A_166 = tpu.memref_squeeze %dma_start3A_165 : memref<1x128xi32, #tpu.memory_space<hbm>> -> memref<128xi32, #tpu.memory_space<hbm>>
        %dma_start3A_167 = tpu.memref_slice %arg2[%dma_start3A_164, %mul3A_163] : memref<2x320000xi32, #tpu.memory_space<hbm>> -> memref<1x128xi32, #tpu.memory_space<hbm>>
        %dma_start3A_168 = tpu.memref_squeeze %dma_start3A_167 : memref<1x128xi32, #tpu.memory_space<hbm>> -> memref<128xi32, #tpu.memory_space<hbm>>
        tpu.enqueue_dma source(%dma_start3A_168 : memref<128xi32, #tpu.memory_space<hbm>>) target(%arg6 : memref<128xi32, #tpu.memory_space<vmem>>) target_semaphore(%arg13 : memref<!tpu.dma_semaphore, #tpu.memory_space<semaphore_mem>>)
      } else {
      }
      %ge3A_113 = arith.constant 1 : i32
      %ge3A_114 = arith.cmpi sge, %add3A_92, %ge3A_113 : i32
      %convert_element_type3A_115 = arith.extui %ge3A_114 : i1 to i32
      %cond3A_116 = arith.constant 0 : i32
      %cond3A_117 = arith.cmpi ne, %convert_element_type3A_115, %cond3A_116 : i32
      scf.if %cond3A_117 {
        %dma_wait3A_159 = arith.constant 0 : i32
        %dma_wait3A_160 = arith.constant 0 : i32
        %dma_wait3A_161 = tpu.memref_slice %arg12[%dma_wait3A_159, %dma_wait3A_160] : memref<10000x128xf32, #tpu.memory_space<vmem_shared>> -> memref<10000x128xf32, #tpu.memory_space<vmem_shared>>
        tpu.wait_indirect_dma semaphore(%arg20 : memref<!tpu.dma_semaphore, #tpu.memory_space<semaphore_mem>>) src(%arg11 : memref<128x128xf32, #tpu.memory_space<vmem>>) dst(%dma_wait3A_161 : memref<10000x128xf32, #tpu.memory_space<vmem_shared>>)
      } else {
      }
      %add3A_118 = arith.constant 1 : i32
      %add3A_119 = arith.addi %add3A_92, %add3A_118 : i32
      %lt3A_120 = arith.cmpi slt, %add3A_119, %add3A_12 : i32
      %convert_element_type3A_121 = arith.extui %lt3A_120 : i1 to i32
      %cond3A_122 = arith.constant 0 : i32
      %cond3A_123 = arith.cmpi ne, %convert_element_type3A_121, %cond3A_122 : i32
      scf.if %cond3A_123 {
        %add3A_159 = arith.constant 1 : i32
        %add3A_160 = arith.addi %add3A_92, %add3A_159 : i32
        %add3A_161 = arith.addi %add3A_7, %add3A_160 : i32
        %mul3A_162 = arith.constant 128 : i32
        %mul3A_163 = arith.muli %add3A_161, %mul3A_162 : i32
        %dma_start3A_164 = arith.constant 1 : i32
        %dma_start3A_165 = tpu.memref_slice %arg2[%dma_start3A_164, %mul3A_163] : memref<2x320000xi32, #tpu.memory_space<hbm>> -> memref<1x128xi32, #tpu.memory_space<hbm>>
        %dma_start3A_166 = tpu.memref_squeeze %dma_start3A_165 : memref<1x128xi32, #tpu.memory_space<hbm>> -> memref<128xi32, #tpu.memory_space<hbm>>
        %dma_start3A_167 = tpu.memref_slice %arg2[%dma_start3A_164, %mul3A_163] : memref<2x320000xi32, #tpu.memory_space<hbm>> -> memref<1x128xi32, #tpu.memory_space<hbm>>
        %dma_start3A_168 = tpu.memref_squeeze %dma_start3A_167 : memref<1x128xi32, #tpu.memory_space<hbm>> -> memref<128xi32, #tpu.memory_space<hbm>>
        tpu.enqueue_dma source(%dma_start3A_168 : memref<128xi32, #tpu.memory_space<hbm>>) target(%arg9 : memref<128xi32, #tpu.memory_space<vmem>>) target_semaphore(%arg16 : memref<!tpu.dma_semaphore, #tpu.memory_space<semaphore_mem>>)
        %add3A_169 = arith.constant 1 : i32
        %add3A_170 = arith.addi %add3A_92, %add3A_169 : i32
        %add3A_171 = arith.addi %add3A_7, %add3A_170 : i32
        %mul3A_172 = arith.constant 128 : i32
        %mul3A_173 = arith.muli %add3A_171, %mul3A_172 : i32
        %dma_wait3A_174 = arith.constant 0 : i32
        %dma_wait3A_175 = tpu.memref_slice %arg2[%dma_wait3A_174, %mul3A_173] : memref<2x320000xi32, #tpu.memory_space<hbm>> -> memref<1x128xi32, #tpu.memory_space<hbm>>
        %dma_wait3A_176 = tpu.memref_squeeze %dma_wait3A_175 : memref<1x128xi32, #tpu.memory_space<hbm>> -> memref<128xi32, #tpu.memory_space<hbm>>
        %dma_wait3A_177 = tpu.memref_slice %arg2[%dma_wait3A_174, %mul3A_173] : memref<2x320000xi32, #tpu.memory_space<hbm>> -> memref<1x128xi32, #tpu.memory_space<hbm>>
        %dma_wait3A_178 = tpu.memref_squeeze %dma_wait3A_177 : memref<1x128xi32, #tpu.memory_space<hbm>> -> memref<128xi32, #tpu.memory_space<hbm>>
        tpu.wait_dma2 semaphore(%arg14 : memref<!tpu.dma_semaphore, #tpu.memory_space<semaphore_mem>>) src(%dma_wait3A_178 : memref<128xi32, #tpu.memory_space<hbm>>) dst(%arg7 : memref<128xi32, #tpu.memory_space<vmem>>)
        %dma_start3A_179 = arith.constant 0 : i32
        %dma_start3A_180 = arith.constant 0 : i32
        %dma_start3A_181 = tpu.memref_slice %arg3[%dma_start3A_179, %dma_start3A_180] : memref<10000x128xf32, #tpu.memory_space<hbm>> -> memref<10000x128xf32, #tpu.memory_space<hbm>>
        tpu.enqueue_indirect_dma source(%dma_start3A_181 : memref<10000x128xf32, #tpu.memory_space<hbm>>) target(%arg11 : memref<128x128xf32, #tpu.memory_space<vmem>>) offsets(%arg7 : memref<128xi32, #tpu.memory_space<vmem>>) semaphore(%arg18 : memref<!tpu.dma_semaphore, #tpu.memory_space<semaphore_mem>>)
      } else {
      }
      %mul3A_124 = arith.constant 2 : i32
      %mul3A_125 = arith.muli %while3A_88, %mul3A_124 : i32
      %add3A_126 = arith.constant 1 : i32
      %add3A_127 = arith.addi %mul3A_125, %add3A_126 : i32
      %dma_wait3A_128 = arith.constant 0 : i32
      %dma_wait3A_129 = arith.constant 0 : i32
      %dma_wait3A_130 = tpu.memref_slice %arg3[%dma_wait3A_128, %dma_wait3A_129] : memref<10000x128xf32, #tpu.memory_space<hbm>> -> memref<10000x128xf32, #tpu.memory_space<hbm>>
      tpu.wait_indirect_dma semaphore(%arg18 : memref<!tpu.dma_semaphore, #tpu.memory_space<semaphore_mem>>) src(%dma_wait3A_130 : memref<10000x128xf32, #tpu.memory_space<hbm>>) dst(%arg11 : memref<128x128xf32, #tpu.memory_space<vmem>>)
      %add3A_131 = arith.addi %add3A_7, %add3A_127 : i32
      %mul3A_132 = arith.constant 128 : i32
      %mul3A_133 = arith.muli %add3A_131, %mul3A_132 : i32
      %dma_wait3A_134 = arith.constant 1 : i32
      %dma_wait3A_135 = tpu.memref_slice %arg2[%dma_wait3A_134, %mul3A_133] : memref<2x320000xi32, #tpu.memory_space<hbm>> -> memref<1x128xi32, #tpu.memory_space<hbm>>
      %dma_wait3A_136 = tpu.memref_squeeze %dma_wait3A_135 : memref<1x128xi32, #tpu.memory_space<hbm>> -> memref<128xi32, #tpu.memory_space<hbm>>
      %dma_wait3A_137 = tpu.memref_slice %arg2[%dma_wait3A_134, %mul3A_133] : memref<2x320000xi32, #tpu.memory_space<hbm>> -> memref<1x128xi32, #tpu.memory_space<hbm>>
      %dma_wait3A_138 = tpu.memref_squeeze %dma_wait3A_137 : memref<1x128xi32, #tpu.memory_space<hbm>> -> memref<128xi32, #tpu.memory_space<hbm>>
      tpu.wait_dma2 semaphore(%arg16 : memref<!tpu.dma_semaphore, #tpu.memory_space<semaphore_mem>>) src(%dma_wait3A_138 : memref<128xi32, #tpu.memory_space<hbm>>) dst(%arg9 : memref<128xi32, #tpu.memory_space<vmem>>)
      %dma_start3A_139 = arith.constant 0 : i32
      %dma_start3A_140 = arith.constant 0 : i32
      %dma_start3A_141 = tpu.memref_slice %arg12[%dma_start3A_139, %dma_start3A_140] : memref<10000x128xf32, #tpu.memory_space<vmem_shared>> -> memref<10000x128xf32, #tpu.memory_space<vmem_shared>>
      tpu.enqueue_indirect_dma source(%arg11 : memref<128x128xf32, #tpu.memory_space<vmem>>) target(%dma_start3A_141 : memref<10000x128xf32, #tpu.memory_space<vmem_shared>>) offsets(%arg9 : memref<128xi32, #tpu.memory_space<vmem>>) semaphore(%arg20 : memref<!tpu.dma_semaphore, #tpu.memory_space<semaphore_mem>>) {add = true}
      %add3A_142 = arith.constant 2 : i32
      %add3A_143 = arith.addi %add3A_127, %add3A_142 : i32
      %lt3A_144 = arith.cmpi slt, %add3A_143, %add3A_12 : i32
      %convert_element_type3A_145 = arith.extui %lt3A_144 : i1 to i32
      %cond3A_146 = arith.constant 0 : i32
      %cond3A_147 = arith.cmpi ne, %convert_element_type3A_145, %cond3A_146 : i32
      scf.if %cond3A_147 {
        %add3A_159 = arith.constant 2 : i32
        %add3A_160 = arith.addi %add3A_127, %add3A_159 : i32
        %add3A_161 = arith.addi %add3A_7, %add3A_160 : i32
        %mul3A_162 = arith.constant 128 : i32
        %mul3A_163 = arith.muli %add3A_161, %mul3A_162 : i32
        %dma_start3A_164 = arith.constant 0 : i32
        %dma_start3A_165 = tpu.memref_slice %arg2[%dma_start3A_164, %mul3A_163] : memref<2x320000xi32, #tpu.memory_space<hbm>> -> memref<1x128xi32, #tpu.memory_space<hbm>>
        %dma_start3A_166 = tpu.memref_squeeze %dma_start3A_165 : memref<1x128xi32, #tpu.memory_space<hbm>> -> memref<128xi32, #tpu.memory_space<hbm>>
        %dma_start3A_167 = tpu.memref_slice %arg2[%dma_start3A_164, %mul3A_163] : memref<2x320000xi32, #tpu.memory_space<hbm>> -> memref<1x128xi32, #tpu.memory_space<hbm>>
        %dma_start3A_168 = tpu.memref_squeeze %dma_start3A_167 : memref<1x128xi32, #tpu.memory_space<hbm>> -> memref<128xi32, #tpu.memory_space<hbm>>
        tpu.enqueue_dma source(%dma_start3A_168 : memref<128xi32, #tpu.memory_space<hbm>>) target(%arg7 : memref<128xi32, #tpu.memory_space<vmem>>) target_semaphore(%arg14 : memref<!tpu.dma_semaphore, #tpu.memory_space<semaphore_mem>>)
      } else {
      }
      %ge3A_148 = arith.constant 1 : i32
      %ge3A_149 = arith.cmpi sge, %add3A_127, %ge3A_148 : i32
      %convert_element_type3A_150 = arith.extui %ge3A_149 : i1 to i32
      %cond3A_151 = arith.constant 0 : i32
      %cond3A_152 = arith.cmpi ne, %convert_element_type3A_150, %cond3A_151 : i32
      scf.if %cond3A_152 {
        %dma_wait3A_159 = arith.constant 0 : i32
        %dma_wait3A_160 = arith.constant 0 : i32
        %dma_wait3A_161 = tpu.memref_slice %arg12[%dma_wait3A_159, %dma_wait3A_160] : memref<10000x128xf32, #tpu.memory_space<vmem_shared>> -> memref<10000x128xf32, #tpu.memory_space<vmem_shared>>
        tpu.wait_indirect_dma semaphore(%arg19 : memref<!tpu.dma_semaphore, #tpu.memory_space<semaphore_mem>>) src(%arg10 : memref<128x128xf32, #tpu.memory_space<vmem>>) dst(%dma_wait3A_161 : memref<10000x128xf32, #tpu.memory_space<vmem_shared>>)
      } else {
      }
      %add3A_153 = arith.constant 1 : i32
      %add3A_154 = arith.addi %add3A_127, %add3A_153 : i32
      %lt3A_155 = arith.cmpi slt, %add3A_154, %add3A_12 : i32
      %convert_element_type3A_156 = arith.extui %lt3A_155 : i1 to i32
      %cond3A_157 = arith.constant 0 : i32
      %cond3A_158 = arith.cmpi ne, %convert_element_type3A_156, %cond3A_157 : i32
      scf.if %cond3A_158 {
        %add3A_159 = arith.constant 1 : i32
        %add3A_160 = arith.addi %add3A_127, %add3A_159 : i32
        %add3A_161 = arith.addi %add3A_7, %add3A_160 : i32
        %mul3A_162 = arith.constant 128 : i32
        %mul3A_163 = arith.muli %add3A_161, %mul3A_162 : i32
        %dma_start3A_164 = arith.constant 1 : i32
        %dma_start3A_165 = tpu.memref_slice %arg2[%dma_start3A_164, %mul3A_163] : memref<2x320000xi32, #tpu.memory_space<hbm>> -> memref<1x128xi32, #tpu.memory_space<hbm>>
        %dma_start3A_166 = tpu.memref_squeeze %dma_start3A_165 : memref<1x128xi32, #tpu.memory_space<hbm>> -> memref<128xi32, #tpu.memory_space<hbm>>
        %dma_start3A_167 = tpu.memref_slice %arg2[%dma_start3A_164, %mul3A_163] : memref<2x320000xi32, #tpu.memory_space<hbm>> -> memref<1x128xi32, #tpu.memory_space<hbm>>
        %dma_start3A_168 = tpu.memref_squeeze %dma_start3A_167 : memref<1x128xi32, #tpu.memory_space<hbm>> -> memref<128xi32, #tpu.memory_space<hbm>>
        tpu.enqueue_dma source(%dma_start3A_168 : memref<128xi32, #tpu.memory_space<hbm>>) target(%arg8 : memref<128xi32, #tpu.memory_space<vmem>>) target_semaphore(%arg15 : memref<!tpu.dma_semaphore, #tpu.memory_space<semaphore_mem>>)
        %add3A_169 = arith.constant 1 : i32
        %add3A_170 = arith.addi %add3A_127, %add3A_169 : i32
        %add3A_171 = arith.addi %add3A_7, %add3A_170 : i32
        %mul3A_172 = arith.constant 128 : i32
        %mul3A_173 = arith.muli %add3A_171, %mul3A_172 : i32
        %dma_wait3A_174 = arith.constant 0 : i32
        %dma_wait3A_175 = tpu.memref_slice %arg2[%dma_wait3A_174, %mul3A_173] : memref<2x320000xi32, #tpu.memory_space<hbm>> -> memref<1x128xi32, #tpu.memory_space<hbm>>
        %dma_wait3A_176 = tpu.memref_squeeze %dma_wait3A_175 : memref<1x128xi32, #tpu.memory_space<hbm>> -> memref<128xi32, #tpu.memory_space<hbm>>
        %dma_wait3A_177 = tpu.memref_slice %arg2[%dma_wait3A_174, %mul3A_173] : memref<2x320000xi32, #tpu.memory_space<hbm>> -> memref<1x128xi32, #tpu.memory_space<hbm>>
        %dma_wait3A_178 = tpu.memref_squeeze %dma_wait3A_177 : memref<1x128xi32, #tpu.memory_space<hbm>> -> memref<128xi32, #tpu.memory_space<hbm>>
        tpu.wait_dma2 semaphore(%arg13 : memref<!tpu.dma_semaphore, #tpu.memory_space<semaphore_mem>>) src(%dma_wait3A_178 : memref<128xi32, #tpu.memory_space<hbm>>) dst(%arg6 : memref<128xi32, #tpu.memory_space<vmem>>)
        %dma_start3A_179 = arith.constant 0 : i32
        %dma_start3A_180 = arith.constant 0 : i32
        %dma_start3A_181 = tpu.memref_slice %arg3[%dma_start3A_179, %dma_start3A_180] : memref<10000x128xf32, #tpu.memory_space<hbm>> -> memref<10000x128xf32, #tpu.memory_space<hbm>>
        tpu.enqueue_indirect_dma source(%dma_start3A_181 : memref<10000x128xf32, #tpu.memory_space<hbm>>) target(%arg10 : memref<128x128xf32, #tpu.memory_space<vmem>>) offsets(%arg6 : memref<128xi32, #tpu.memory_space<vmem>>) semaphore(%arg17 : memref<!tpu.dma_semaphore, #tpu.memory_space<semaphore_mem>>)
      } else {
      }
    }
    %while3A_78 = arith.constant 1 : i32
    scf.for %while3A_88 = %while3A_76 to %while3A_72 step %while3A_78  : i32 {
      %mul3A_89 = arith.constant 2 : i32
      %mul3A_90 = arith.muli %while3A_88, %mul3A_89 : i32
      %add3A_91 = arith.constant 0 : i32
      %add3A_92 = arith.addi %mul3A_90, %add3A_91 : i32
      %dma_wait3A_93 = arith.constant 0 : i32
      %dma_wait3A_94 = arith.constant 0 : i32
      %dma_wait3A_95 = tpu.memref_slice %arg3[%dma_wait3A_93, %dma_wait3A_94] : memref<10000x128xf32, #tpu.memory_space<hbm>> -> memref<10000x128xf32, #tpu.memory_space<hbm>>
      tpu.wait_indirect_dma semaphore(%arg17 : memref<!tpu.dma_semaphore, #tpu.memory_space<semaphore_mem>>) src(%dma_wait3A_95 : memref<10000x128xf32, #tpu.memory_space<hbm>>) dst(%arg10 : memref<128x128xf32, #tpu.memory_space<vmem>>)
      %add3A_96 = arith.addi %add3A_7, %add3A_92 : i32
      %mul3A_97 = arith.constant 128 : i32
      %mul3A_98 = arith.muli %add3A_96, %mul3A_97 : i32
      %dma_wait3A_99 = arith.constant 1 : i32
      %dma_wait3A_100 = tpu.memref_slice %arg2[%dma_wait3A_99, %mul3A_98] : memref<2x320000xi32, #tpu.memory_space<hbm>> -> memref<1x128xi32, #tpu.memory_space<hbm>>
      %dma_wait3A_101 = tpu.memref_squeeze %dma_wait3A_100 : memref<1x128xi32, #tpu.memory_space<hbm>> -> memref<128xi32, #tpu.memory_space<hbm>>
      %dma_wait3A_102 = tpu.memref_slice %arg2[%dma_wait3A_99, %mul3A_98] : memref<2x320000xi32, #tpu.memory_space<hbm>> -> memref<1x128xi32, #tpu.memory_space<hbm>>
      %dma_wait3A_103 = tpu.memref_squeeze %dma_wait3A_102 : memref<1x128xi32, #tpu.memory_space<hbm>> -> memref<128xi32, #tpu.memory_space<hbm>>
      tpu.wait_dma2 semaphore(%arg15 : memref<!tpu.dma_semaphore, #tpu.memory_space<semaphore_mem>>) src(%dma_wait3A_103 : memref<128xi32, #tpu.memory_space<hbm>>) dst(%arg8 : memref<128xi32, #tpu.memory_space<vmem>>)
      %dma_start3A_104 = arith.constant 0 : i32
      %dma_start3A_105 = arith.constant 0 : i32
      %dma_start3A_106 = tpu.memref_slice %arg12[%dma_start3A_104, %dma_start3A_105] : memref<10000x128xf32, #tpu.memory_space<vmem_shared>> -> memref<10000x128xf32, #tpu.memory_space<vmem_shared>>
      tpu.enqueue_indirect_dma source(%arg10 : memref<128x128xf32, #tpu.memory_space<vmem>>) target(%dma_start3A_106 : memref<10000x128xf32, #tpu.memory_space<vmem_shared>>) offsets(%arg8 : memref<128xi32, #tpu.memory_space<vmem>>) semaphore(%arg19 : memref<!tpu.dma_semaphore, #tpu.memory_space<semaphore_mem>>) {add = true}
      %add3A_107 = arith.constant 2 : i32
      %add3A_108 = arith.addi %add3A_92, %add3A_107 : i32
      %lt3A_109 = arith.cmpi slt, %add3A_108, %add3A_12 : i32
      %convert_element_type3A_110 = arith.extui %lt3A_109 : i1 to i32
      %cond3A_111 = arith.constant 0 : i32
      %cond3A_112 = arith.cmpi ne, %convert_element_type3A_110, %cond3A_111 : i32
      scf.if %cond3A_112 {
        %add3A_159 = arith.constant 2 : i32
        %add3A_160 = arith.addi %add3A_92, %add3A_159 : i32
        %add3A_161 = arith.addi %add3A_7, %add3A_160 : i32
        %mul3A_162 = arith.constant 128 : i32
        %mul3A_163 = arith.muli %add3A_161, %mul3A_162 : i32
        %dma_start3A_164 = arith.constant 0 : i32
        %dma_start3A_165 = tpu.memref_slice %arg2[%dma_start3A_164, %mul3A_163] : memref<2x320000xi32, #tpu.memory_space<hbm>> -> memref<1x128xi32, #tpu.memory_space<hbm>>
        %dma_start3A_166 = tpu.memref_squeeze %dma_start3A_165 : memref<1x128xi32, #tpu.memory_space<hbm>> -> memref<128xi32, #tpu.memory_space<hbm>>
        %dma_start3A_167 = tpu.memref_slice %arg2[%dma_start3A_164, %mul3A_163] : memref<2x320000xi32, #tpu.memory_space<hbm>> -> memref<1x128xi32, #tpu.memory_space<hbm>>
        %dma_start3A_168 = tpu.memref_squeeze %dma_start3A_167 : memref<1x128xi32, #tpu.memory_space<hbm>> -> memref<128xi32, #tpu.memory_space<hbm>>
        tpu.enqueue_dma source(%dma_start3A_168 : memref<128xi32, #tpu.memory_space<hbm>>) target(%arg6 : memref<128xi32, #tpu.memory_space<vmem>>) target_semaphore(%arg13 : memref<!tpu.dma_semaphore, #tpu.memory_space<semaphore_mem>>)
      } else {
      }
      %ge3A_113 = arith.constant 1 : i32
      %ge3A_114 = arith.cmpi sge, %add3A_92, %ge3A_113 : i32
      %convert_element_type3A_115 = arith.extui %ge3A_114 : i1 to i32
      %cond3A_116 = arith.constant 0 : i32
      %cond3A_117 = arith.cmpi ne, %convert_element_type3A_115, %cond3A_116 : i32
      scf.if %cond3A_117 {
        %dma_wait3A_159 = arith.constant 0 : i32
        %dma_wait3A_160 = arith.constant 0 : i32
        %dma_wait3A_161 = tpu.memref_slice %arg12[%dma_wait3A_159, %dma_wait3A_160] : memref<10000x128xf32, #tpu.memory_space<vmem_shared>> -> memref<10000x128xf32, #tpu.memory_space<vmem_shared>>
        tpu.wait_indirect_dma semaphore(%arg20 : memref<!tpu.dma_semaphore, #tpu.memory_space<semaphore_mem>>) src(%arg11 : memref<128x128xf32, #tpu.memory_space<vmem>>) dst(%dma_wait3A_161 : memref<10000x128xf32, #tpu.memory_space<vmem_shared>>)
      } else {
      }
      %add3A_118 = arith.constant 1 : i32
      %add3A_119 = arith.addi %add3A_92, %add3A_118 : i32
      %lt3A_120 = arith.cmpi slt, %add3A_119, %add3A_12 : i32
      %convert_element_type3A_121 = arith.extui %lt3A_120 : i1 to i32
      %cond3A_122 = arith.constant 0 : i32
      %cond3A_123 = arith.cmpi ne, %convert_element_type3A_121, %cond3A_122 : i32
      scf.if %cond3A_123 {
        %add3A_159 = arith.constant 1 : i32
        %add3A_160 = arith.addi %add3A_92, %add3A_159 : i32
        %add3A_161 = arith.addi %add3A_7, %add3A_160 : i32
        %mul3A_162 = arith.constant 128 : i32
        %mul3A_163 = arith.muli %add3A_161, %mul3A_162 : i32
        %dma_start3A_164 = arith.constant 1 : i32
        %dma_start3A_165 = tpu.memref_slice %arg2[%dma_start3A_164, %mul3A_163] : memref<2x320000xi32, #tpu.memory_space<hbm>> -> memref<1x128xi32, #tpu.memory_space<hbm>>
        %dma_start3A_166 = tpu.memref_squeeze %dma_start3A_165 : memref<1x128xi32, #tpu.memory_space<hbm>> -> memref<128xi32, #tpu.memory_space<hbm>>
        %dma_start3A_167 = tpu.memref_slice %arg2[%dma_start3A_164, %mul3A_163] : memref<2x320000xi32, #tpu.memory_space<hbm>> -> memref<1x128xi32, #tpu.memory_space<hbm>>
        %dma_start3A_168 = tpu.memref_squeeze %dma_start3A_167 : memref<1x128xi32, #tpu.memory_space<hbm>> -> memref<128xi32, #tpu.memory_space<hbm>>
        tpu.enqueue_dma source(%dma_start3A_168 : memref<128xi32, #tpu.memory_space<hbm>>) target(%arg9 : memref<128xi32, #tpu.memory_space<vmem>>) target_semaphore(%arg16 : memref<!tpu.dma_semaphore, #tpu.memory_space<semaphore_mem>>)
        %add3A_169 = arith.constant 1 : i32
        %add3A_170 = arith.addi %add3A_92, %add3A_169 : i32
        %add3A_171 = arith.addi %add3A_7, %add3A_170 : i32
        %mul3A_172 = arith.constant 128 : i32
        %mul3A_173 = arith.muli %add3A_171, %mul3A_172 : i32
        %dma_wait3A_174 = arith.constant 0 : i32
        %dma_wait3A_175 = tpu.memref_slice %arg2[%dma_wait3A_174, %mul3A_173] : memref<2x320000xi32, #tpu.memory_space<hbm>> -> memref<1x128xi32, #tpu.memory_space<hbm>>
        %dma_wait3A_176 = tpu.memref_squeeze %dma_wait3A_175 : memref<1x128xi32, #tpu.memory_space<hbm>> -> memref<128xi32, #tpu.memory_space<hbm>>
        %dma_wait3A_177 = tpu.memref_slice %arg2[%dma_wait3A_174, %mul3A_173] : memref<2x320000xi32, #tpu.memory_space<hbm>> -> memref<1x128xi32, #tpu.memory_space<hbm>>
        %dma_wait3A_178 = tpu.memref_squeeze %dma_wait3A_177 : memref<1x128xi32, #tpu.memory_space<hbm>> -> memref<128xi32, #tpu.memory_space<hbm>>
        tpu.wait_dma2 semaphore(%arg14 : memref<!tpu.dma_semaphore, #tpu.memory_space<semaphore_mem>>) src(%dma_wait3A_178 : memref<128xi32, #tpu.memory_space<hbm>>) dst(%arg7 : memref<128xi32, #tpu.memory_space<vmem>>)
        %dma_start3A_179 = arith.constant 0 : i32
        %dma_start3A_180 = arith.constant 0 : i32
        %dma_start3A_181 = tpu.memref_slice %arg3[%dma_start3A_179, %dma_start3A_180] : memref<10000x128xf32, #tpu.memory_space<hbm>> -> memref<10000x128xf32, #tpu.memory_space<hbm>>
        tpu.enqueue_indirect_dma source(%dma_start3A_181 : memref<10000x128xf32, #tpu.memory_space<hbm>>) target(%arg11 : memref<128x128xf32, #tpu.memory_space<vmem>>) offsets(%arg7 : memref<128xi32, #tpu.memory_space<vmem>>) semaphore(%arg18 : memref<!tpu.dma_semaphore, #tpu.memory_space<semaphore_mem>>)
      } else {
      }
      %mul3A_124 = arith.constant 2 : i32
      %mul3A_125 = arith.muli %while3A_88, %mul3A_124 : i32
      %add3A_126 = arith.constant 1 : i32
      %add3A_127 = arith.addi %mul3A_125, %add3A_126 : i32
      %dma_wait3A_128 = arith.constant 0 : i32
      %dma_wait3A_129 = arith.constant 0 : i32
      %dma_wait3A_130 = tpu.memref_slice %arg3[%dma_wait3A_128, %dma_wait3A_129] : memref<10000x128xf32, #tpu.memory_space<hbm>> -> memref<10000x128xf32, #tpu.memory_space<hbm>>
      tpu.wait_indirect_dma semaphore(%arg18 : memref<!tpu.dma_semaphore, #tpu.memory_space<semaphore_mem>>) src(%dma_wait3A_130 : memref<10000x128xf32, #tpu.memory_space<hbm>>) dst(%arg11 : memref<128x128xf32, #tpu.memory_space<vmem>>)
      %add3A_131 = arith.addi %add3A_7, %add3A_127 : i32
      %mul3A_132 = arith.constant 128 : i32
      %mul3A_133 = arith.muli %add3A_131, %mul3A_132 : i32
      %dma_wait3A_134 = arith.constant 1 : i32
      %dma_wait3A_135 = tpu.memref_slice %arg2[%dma_wait3A_134, %mul3A_133] : memref<2x320000xi32, #tpu.memory_space<hbm>> -> memref<1x128xi32, #tpu.memory_space<hbm>>
      %dma_wait3A_136 = tpu.memref_squeeze %dma_wait3A_135 : memref<1x128xi32, #tpu.memory_space<hbm>> -> memref<128xi32, #tpu.memory_space<hbm>>
      %dma_wait3A_137 = tpu.memref_slice %arg2[%dma_wait3A_134, %mul3A_133] : memref<2x320000xi32, #tpu.memory_space<hbm>> -> memref<1x128xi32, #tpu.memory_space<hbm>>
      %dma_wait3A_138 = tpu.memref_squeeze %dma_wait3A_137 : memref<1x128xi32, #tpu.memory_space<hbm>> -> memref<128xi32, #tpu.memory_space<hbm>>
      tpu.wait_dma2 semaphore(%arg16 : memref<!tpu.dma_semaphore, #tpu.memory_space<semaphore_mem>>) src(%dma_wait3A_138 : memref<128xi32, #tpu.memory_space<hbm>>) dst(%arg9 : memref<128xi32, #tpu.memory_space<vmem>>)
      %dma_start3A_139 = arith.constant 0 : i32
      %dma_start3A_140 = arith.constant 0 : i32
      %dma_start3A_141 = tpu.memref_slice %arg12[%dma_start3A_139, %dma_start3A_140] : memref<10000x128xf32, #tpu.memory_space<vmem_shared>> -> memref<10000x128xf32, #tpu.memory_space<vmem_shared>>
      tpu.enqueue_indirect_dma source(%arg11 : memref<128x128xf32, #tpu.memory_space<vmem>>) target(%dma_start3A_141 : memref<10000x128xf32, #tpu.memory_space<vmem_shared>>) offsets(%arg9 : memref<128xi32, #tpu.memory_space<vmem>>) semaphore(%arg20 : memref<!tpu.dma_semaphore, #tpu.memory_space<semaphore_mem>>) {add = true}
      %add3A_142 = arith.constant 2 : i32
      %add3A_143 = arith.addi %add3A_127, %add3A_142 : i32
      %lt3A_144 = arith.cmpi slt, %add3A_143, %add3A_12 : i32
      %convert_element_type3A_145 = arith.extui %lt3A_144 : i1 to i32
      %cond3A_146 = arith.constant 0 : i32
      %cond3A_147 = arith.cmpi ne, %convert_element_type3A_145, %cond3A_146 : i32
      scf.if %cond3A_147 {
        %add3A_159 = arith.constant 2 : i32
        %add3A_160 = arith.addi %add3A_127, %add3A_159 : i32
        %add3A_161 = arith.addi %add3A_7, %add3A_160 : i32
        %mul3A_162 = arith.constant 128 : i32
        %mul3A_163 = arith.muli %add3A_161, %mul3A_162 : i32
        %dma_start3A_164 = arith.constant 0 : i32
        %dma_start3A_165 = tpu.memref_slice %arg2[%dma_start3A_164, %mul3A_163] : memref<2x320000xi32, #tpu.memory_space<hbm>> -> memref<1x128xi32, #tpu.memory_space<hbm>>
        %dma_start3A_166 = tpu.memref_squeeze %dma_start3A_165 : memref<1x128xi32, #tpu.memory_space<hbm>> -> memref<128xi32, #tpu.memory_space<hbm>>
        %dma_start3A_167 = tpu.memref_slice %arg2[%dma_start3A_164, %mul3A_163] : memref<2x320000xi32, #tpu.memory_space<hbm>> -> memref<1x128xi32, #tpu.memory_space<hbm>>
        %dma_start3A_168 = tpu.memref_squeeze %dma_start3A_167 : memref<1x128xi32, #tpu.memory_space<hbm>> -> memref<128xi32, #tpu.memory_space<hbm>>
        tpu.enqueue_dma source(%dma_start3A_168 : memref<128xi32, #tpu.memory_space<hbm>>) target(%arg7 : memref<128xi32, #tpu.memory_space<vmem>>) target_semaphore(%arg14 : memref<!tpu.dma_semaphore, #tpu.memory_space<semaphore_mem>>)
      } else {
      }
      %ge3A_148 = arith.constant 1 : i32
      %ge3A_149 = arith.cmpi sge, %add3A_127, %ge3A_148 : i32
      %convert_element_type3A_150 = arith.extui %ge3A_149 : i1 to i32
      %cond3A_151 = arith.constant 0 : i32
      %cond3A_152 = arith.cmpi ne, %convert_element_type3A_150, %cond3A_151 : i32
      scf.if %cond3A_152 {
        %dma_wait3A_159 = arith.constant 0 : i32
        %dma_wait3A_160 = arith.constant 0 : i32
        %dma_wait3A_161 = tpu.memref_slice %arg12[%dma_wait3A_159, %dma_wait3A_160] : memref<10000x128xf32, #tpu.memory_space<vmem_shared>> -> memref<10000x128xf32, #tpu.memory_space<vmem_shared>>
        tpu.wait_indirect_dma semaphore(%arg19 : memref<!tpu.dma_semaphore, #tpu.memory_space<semaphore_mem>>) src(%arg10 : memref<128x128xf32, #tpu.memory_space<vmem>>) dst(%dma_wait3A_161 : memref<10000x128xf32, #tpu.memory_space<vmem_shared>>)
      } else {
      }
      %add3A_153 = arith.constant 1 : i32
      %add3A_154 = arith.addi %add3A_127, %add3A_153 : i32
      %lt3A_155 = arith.cmpi slt, %add3A_154, %add3A_12 : i32
      %convert_element_type3A_156 = arith.extui %lt3A_155 : i1 to i32
      %cond3A_157 = arith.constant 0 : i32
      %cond3A_158 = arith.cmpi ne, %convert_element_type3A_156, %cond3A_157 : i32
      scf.if %cond3A_158 {
        %add3A_159 = arith.constant 1 : i32
        %add3A_160 = arith.addi %add3A_127, %add3A_159 : i32
        %add3A_161 = arith.addi %add3A_7, %add3A_160 : i32
        %mul3A_162 = arith.constant 128 : i32
        %mul3A_163 = arith.muli %add3A_161, %mul3A_162 : i32
        %dma_start3A_164 = arith.constant 1 : i32
        %dma_start3A_165 = tpu.memref_slice %arg2[%dma_start3A_164, %mul3A_163] : memref<2x320000xi32, #tpu.memory_space<hbm>> -> memref<1x128xi32, #tpu.memory_space<hbm>>
        %dma_start3A_166 = tpu.memref_squeeze %dma_start3A_165 : memref<1x128xi32, #tpu.memory_space<hbm>> -> memref<128xi32, #tpu.memory_space<hbm>>
        %dma_start3A_167 = tpu.memref_slice %arg2[%dma_start3A_164, %mul3A_163] : memref<2x320000xi32, #tpu.memory_space<hbm>> -> memref<1x128xi32, #tpu.memory_space<hbm>>
        %dma_start3A_168 = tpu.memref_squeeze %dma_start3A_167 : memref<1x128xi32, #tpu.memory_space<hbm>> -> memref<128xi32, #tpu.memory_space<hbm>>
        tpu.enqueue_dma source(%dma_start3A_168 : memref<128xi32, #tpu.memory_space<hbm>>) target(%arg8 : memref<128xi32, #tpu.memory_space<vmem>>) target_semaphore(%arg15 : memref<!tpu.dma_semaphore, #tpu.memory_space<semaphore_mem>>)
        %add3A_169 = arith.constant 1 : i32
        %add3A_170 = arith.addi %add3A_127, %add3A_169 : i32
        %add3A_171 = arith.addi %add3A_7, %add3A_170 : i32
        %mul3A_172 = arith.constant 128 : i32
        %mul3A_173 = arith.muli %add3A_171, %mul3A_172 : i32
        %dma_wait3A_174 = arith.constant 0 : i32
        %dma_wait3A_175 = tpu.memref_slice %arg2[%dma_wait3A_174, %mul3A_173] : memref<2x320000xi32, #tpu.memory_space<hbm>> -> memref<1x128xi32, #tpu.memory_space<hbm>>
        %dma_wait3A_176 = tpu.memref_squeeze %dma_wait3A_175 : memref<1x128xi32, #tpu.memory_space<hbm>> -> memref<128xi32, #tpu.memory_space<hbm>>
        %dma_wait3A_177 = tpu.memref_slice %arg2[%dma_wait3A_174, %mul3A_173] : memref<2x320000xi32, #tpu.memory_space<hbm>> -> memref<1x128xi32, #tpu.memory_space<hbm>>
        %dma_wait3A_178 = tpu.memref_squeeze %dma_wait3A_177 : memref<1x128xi32, #tpu.memory_space<hbm>> -> memref<128xi32, #tpu.memory_space<hbm>>
        tpu.wait_dma2 semaphore(%arg13 : memref<!tpu.dma_semaphore, #tpu.memory_space<semaphore_mem>>) src(%dma_wait3A_178 : memref<128xi32, #tpu.memory_space<hbm>>) dst(%arg6 : memref<128xi32, #tpu.memory_space<vmem>>)
        %dma_start3A_179 = arith.constant 0 : i32
        %dma_start3A_180 = arith.constant 0 : i32
        %dma_start3A_181 = tpu.memref_slice %arg3[%dma_start3A_179, %dma_start3A_180] : memref<10000x128xf32, #tpu.memory_space<hbm>> -> memref<10000x128xf32, #tpu.memory_space<hbm>>
        tpu.enqueue_indirect_dma source(%dma_start3A_181 : memref<10000x128xf32, #tpu.memory_space<hbm>>) target(%arg10 : memref<128x128xf32, #tpu.memory_space<vmem>>) offsets(%arg6 : memref<128xi32, #tpu.memory_space<vmem>>) semaphore(%arg17 : memref<!tpu.dma_semaphore, #tpu.memory_space<semaphore_mem>>)
      } else {
      }
    }
    %dma_wait3A_79 = arith.constant 0 : i32
    %dma_wait3A_80 = arith.constant 0 : i32
    %dma_wait3A_81 = tpu.memref_slice %arg12[%dma_wait3A_79, %dma_wait3A_80] : memref<10000x128xf32, #tpu.memory_space<vmem_shared>> -> memref<10000x128xf32, #tpu.memory_space<vmem_shared>>
    tpu.wait_indirect_dma semaphore(%arg20 : memref<!tpu.dma_semaphore, #tpu.memory_space<semaphore_mem>>) src(%arg11 : memref<128x128xf32, #tpu.memory_space<vmem>>) dst(%dma_wait3A_81 : memref<10000x128xf32, #tpu.memory_space<vmem_shared>>)
    %barrier3A_82 = arith.constant 0 : index
    tpu.barrier barrier_id(%barrier3A_82)
    %lt3A_83 = arith.constant 10 : i32
    %lt3A_84 = arith.cmpi slt, %arg1, %lt3A_83 : i32
    %convert_element_type3A_85 = arith.extui %lt3A_84 : i1 to i32
    %cond3A_86 = arith.constant 0 : i32
    %cond3A_87 = arith.cmpi ne, %convert_element_type3A_85, %cond3A_86 : i32
    scf.if %cond3A_87 {
      %mul3A_88 = arith.constant 1000 : i32
      %mul3A_89 = arith.muli %arg1, %mul3A_88 : i32
      %mul3A_90 = arith.constant 1000 : i32
      %mul3A_91 = arith.muli %arg1, %mul3A_90 : i32
      "tpu.region"() ({
        %run_scoped3A = tpu.sem_alloc : memref<!tpu.dma_semaphore, #tpu.memory_space<semaphore_mem>>
        %dma_start3A_92 = arith.constant 0 : i32
        %dma_start3A_93 = tpu.memref_slice %arg5[%arg0, %mul3A_91, %dma_start3A_92] : memref<2x10000x128xf32, #tpu.memory_space<hbm>> -> memref<1x1000x128xf32, #tpu.memory_space<hbm>>
        %dma_start3A_94 = tpu.memref_squeeze %dma_start3A_93 : memref<1x1000x128xf32, #tpu.memory_space<hbm>> -> memref<1000x128xf32, #tpu.memory_space<hbm>>
        %dma_start3A_95 = arith.constant 0 : i32
        %dma_start3A_96 = tpu.memref_slice %arg12[%mul3A_89, %dma_start3A_95] : memref<10000x128xf32, #tpu.memory_space<vmem_shared>> -> memref<1000x128xf32, #tpu.memory_space<vmem_shared>>
        tpu.enqueue_dma source(%dma_start3A_96 : memref<1000x128xf32, #tpu.memory_space<vmem_shared>>) target(%dma_start3A_94 : memref<1000x128xf32, #tpu.memory_space<hbm>>) target_semaphore(%run_scoped3A : memref<!tpu.dma_semaphore, #tpu.memory_space<semaphore_mem>>)
        %dma_wait3A_97 = arith.constant 0 : i32
        %dma_wait3A_98 = tpu.memref_slice %arg5[%arg0, %mul3A_91, %dma_wait3A_97] : memref<2x10000x128xf32, #tpu.memory_space<hbm>> -> memref<1x1000x128xf32, #tpu.memory_space<hbm>>
        %dma_wait3A_99 = tpu.memref_squeeze %dma_wait3A_98 : memref<1x1000x128xf32, #tpu.memory_space<hbm>> -> memref<1000x128xf32, #tpu.memory_space<hbm>>
        %dma_wait3A_100 = arith.constant 0 : i32
        %dma_wait3A_101 = tpu.memref_slice %arg12[%mul3A_89, %dma_wait3A_100] : memref<10000x128xf32, #tpu.memory_space<vmem_shared>> -> memref<1000x128xf32, #tpu.memory_space<vmem_shared>>
        tpu.wait_dma2 semaphore(%run_scoped3A : memref<!tpu.dma_semaphore, #tpu.memory_space<semaphore_mem>>) src(%dma_wait3A_101 : memref<1000x128xf32, #tpu.memory_space<vmem_shared>>) dst(%dma_wait3A_99 : memref<1000x128xf32, #tpu.memory_space<hbm>>)
        tpu.yield
      }) : () -> ()
    } else {
    }
    return
  }
}

#map = affine_map<(d0, d1) -> (0, 0)>
#map1 = affine_map<(d0, d1) -> (0)>
module attributes {stable_mosaic.version = 14 : i64} {
  func.func @deg(%arg0: i32, %arg1: i32, %arg2: memref<2x320000xi32, #tpu.memory_space<hbm>>, %arg3: memref<10000xf32, #tpu.memory_space<hbm>>, %arg4: memref<2x10000xf32, #tpu.memory_space<hbm>>, %arg5: memref<128xi32, #tpu.memory_space<vmem>>, %arg6: memref<128xi32, #tpu.memory_space<vmem>>, %arg7: memref<128xf32, #tpu.memory_space<vmem>>, %arg8: memref<10000xf32, #tpu.memory_space<vmem_shared>>, %arg9: memref<!tpu.dma_semaphore, #tpu.memory_space<semaphore_mem>>, %arg10: memref<!tpu.dma_semaphore, #tpu.memory_space<semaphore_mem>>) attributes {dimension_semantics = [#tpu.dimension_semantics<core_parallel>, #tpu.dimension_semantics<subcore_parallel>], iteration_bounds = array<i64: 2, 16>, scalar_prefetch = 0 : i64, scratch_operands = 6 : i64, tpu.core_type = #tpu.core_type<sc_vector_subcore>, window_params = [{transform_indices = #map}, {transform_indices = #map1}, {transform_indices = #map}]} {
    %mul3A = arith.constant 2 : i32
    %mul3A_0 = arith.muli %arg1, %mul3A : i32
    %add3A = arith.addi %mul3A_0, %arg0 : i32
    %mul3A_1 = arith.constant 78 : i32
    %mul3A_2 = arith.muli %mul3A_1, %add3A : i32
    %sub3A = arith.constant 30 : i32
    %sub3A_3 = arith.subi %add3A, %sub3A : i32
    %max3A = arith.constant 0 : i32
    %max3A_4 = arith.maxsi %sub3A_3, %max3A : i32
    %mul3A_5 = arith.constant 2 : i32
    %mul3A_6 = arith.muli %mul3A_5, %max3A_4 : i32
    %add3A_7 = arith.addi %mul3A_2, %mul3A_6 : i32
    %ge3A = arith.constant 30 : i32
    %ge3A_8 = arith.cmpi sge, %add3A, %ge3A : i32
    %convert_element_type3A = arith.extui %ge3A_8 : i1 to i32
    %mul3A_9 = arith.constant 2 : i32
    %mul3A_10 = arith.muli %mul3A_9, %convert_element_type3A : i32
    %add3A_11 = arith.constant 78 : i32
    %add3A_12 = arith.addi %add3A_11, %mul3A_10 : i32
    %broadcast_in_dim3A = arith.constant 1.000000e+00 : f32
    %broadcast_in_dim3A_13 = vector.broadcast %broadcast_in_dim3A : f32 to vector<16xf32>
    %swap3A = arith.constant 0 : index
    %swap3A_14 = tpu.vector_load %arg7[%swap3A] {strides = array<i32>} : memref<128xf32, #tpu.memory_space<vmem>>, vector<16xf32>,
    %swap3A_15 = vector.shape_cast %swap3A_14 : vector<16xf32> to vector<16xf32>
    %swap3A_16 = vector.shape_cast %broadcast_in_dim3A_13 : vector<16xf32> to vector<16xf32>
    tpu.vector_store %arg7[%swap3A], %swap3A_16 {strides = array<i32>} : memref<128xf32, #tpu.memory_space<vmem>>, vector<16xf32>,
    %broadcast_in_dim3A_17 = arith.constant 1.000000e+00 : f32
    %broadcast_in_dim3A_18 = vector.broadcast %broadcast_in_dim3A_17 : f32 to vector<16xf32>
    %swap3A_19 = arith.constant 16 : index
    %swap3A_20 = tpu.vector_load %arg7[%swap3A_19] {strides = array<i32>} : memref<128xf32, #tpu.memory_space<vmem>>, vector<16xf32>,
    %swap3A_21 = vector.shape_cast %swap3A_20 : vector<16xf32> to vector<16xf32>
    %swap3A_22 = vector.shape_cast %broadcast_in_dim3A_18 : vector<16xf32> to vector<16xf32>
    tpu.vector_store %arg7[%swap3A_19], %swap3A_22 {strides = array<i32>} : memref<128xf32, #tpu.memory_space<vmem>>, vector<16xf32>,
    %broadcast_in_dim3A_23 = arith.constant 1.000000e+00 : f32
    %broadcast_in_dim3A_24 = vector.broadcast %broadcast_in_dim3A_23 : f32 to vector<16xf32>
    %swap3A_25 = arith.constant 32 : index
    %swap3A_26 = tpu.vector_load %arg7[%swap3A_25] {strides = array<i32>} : memref<128xf32, #tpu.memory_space<vmem>>, vector<16xf32>,
    %swap3A_27 = vector.shape_cast %swap3A_26 : vector<16xf32> to vector<16xf32>
    %swap3A_28 = vector.shape_cast %broadcast_in_dim3A_24 : vector<16xf32> to vector<16xf32>
    tpu.vector_store %arg7[%swap3A_25], %swap3A_28 {strides = array<i32>} : memref<128xf32, #tpu.memory_space<vmem>>, vector<16xf32>,
    %broadcast_in_dim3A_29 = arith.constant 1.000000e+00 : f32
    %broadcast_in_dim3A_30 = vector.broadcast %broadcast_in_dim3A_29 : f32 to vector<16xf32>
    %swap3A_31 = arith.constant 48 : index
    %swap3A_32 = tpu.vector_load %arg7[%swap3A_31] {strides = array<i32>} : memref<128xf32, #tpu.memory_space<vmem>>, vector<16xf32>,
    %swap3A_33 = vector.shape_cast %swap3A_32 : vector<16xf32> to vector<16xf32>
    %swap3A_34 = vector.shape_cast %broadcast_in_dim3A_30 : vector<16xf32> to vector<16xf32>
    tpu.vector_store %arg7[%swap3A_31], %swap3A_34 {strides = array<i32>} : memref<128xf32, #tpu.memory_space<vmem>>, vector<16xf32>,
    %broadcast_in_dim3A_35 = arith.constant 1.000000e+00 : f32
    %broadcast_in_dim3A_36 = vector.broadcast %broadcast_in_dim3A_35 : f32 to vector<16xf32>
    %swap3A_37 = arith.constant 64 : index
    %swap3A_38 = tpu.vector_load %arg7[%swap3A_37] {strides = array<i32>} : memref<128xf32, #tpu.memory_space<vmem>>, vector<16xf32>,
    %swap3A_39 = vector.shape_cast %swap3A_38 : vector<16xf32> to vector<16xf32>
    %swap3A_40 = vector.shape_cast %broadcast_in_dim3A_36 : vector<16xf32> to vector<16xf32>
    tpu.vector_store %arg7[%swap3A_37], %swap3A_40 {strides = array<i32>} : memref<128xf32, #tpu.memory_space<vmem>>, vector<16xf32>,
    %broadcast_in_dim3A_41 = arith.constant 1.000000e+00 : f32
    %broadcast_in_dim3A_42 = vector.broadcast %broadcast_in_dim3A_41 : f32 to vector<16xf32>
    %swap3A_43 = arith.constant 80 : index
    %swap3A_44 = tpu.vector_load %arg7[%swap3A_43] {strides = array<i32>} : memref<128xf32, #tpu.memory_space<vmem>>, vector<16xf32>,
    %swap3A_45 = vector.shape_cast %swap3A_44 : vector<16xf32> to vector<16xf32>
    %swap3A_46 = vector.shape_cast %broadcast_in_dim3A_42 : vector<16xf32> to vector<16xf32>
    tpu.vector_store %arg7[%swap3A_43], %swap3A_46 {strides = array<i32>} : memref<128xf32, #tpu.memory_space<vmem>>, vector<16xf32>,
    %broadcast_in_dim3A_47 = arith.constant 1.000000e+00 : f32
    %broadcast_in_dim3A_48 = vector.broadcast %broadcast_in_dim3A_47 : f32 to vector<16xf32>
    %swap3A_49 = arith.constant 96 : index
    %swap3A_50 = tpu.vector_load %arg7[%swap3A_49] {strides = array<i32>} : memref<128xf32, #tpu.memory_space<vmem>>, vector<16xf32>,
    %swap3A_51 = vector.shape_cast %swap3A_50 : vector<16xf32> to vector<16xf32>
    %swap3A_52 = vector.shape_cast %broadcast_in_dim3A_48 : vector<16xf32> to vector<16xf32>
    tpu.vector_store %arg7[%swap3A_49], %swap3A_52 {strides = array<i32>} : memref<128xf32, #tpu.memory_space<vmem>>, vector<16xf32>,
    %broadcast_in_dim3A_53 = arith.constant 1.000000e+00 : f32
    %broadcast_in_dim3A_54 = vector.broadcast %broadcast_in_dim3A_53 : f32 to vector<16xf32>
    %swap3A_55 = arith.constant 112 : index
    %swap3A_56 = tpu.vector_load %arg7[%swap3A_55] {strides = array<i32>} : memref<128xf32, #tpu.memory_space<vmem>>, vector<16xf32>,
    %swap3A_57 = vector.shape_cast %swap3A_56 : vector<16xf32> to vector<16xf32>
    %swap3A_58 = vector.shape_cast %broadcast_in_dim3A_54 : vector<16xf32> to vector<16xf32>
    tpu.vector_store %arg7[%swap3A_55], %swap3A_58 {strides = array<i32>} : memref<128xf32, #tpu.memory_space<vmem>>, vector<16xf32>,
    %eq3A = arith.constant 0 : i32
    %eq3A_59 = arith.cmpi eq, %arg1, %eq3A : i32
    %convert_element_type3A_60 = arith.extui %eq3A_59 : i1 to i32
    %cond3A = arith.constant 0 : i32
    %cond3A_61 = arith.cmpi ne, %convert_element_type3A_60, %cond3A : i32
    scf.if %cond3A_61 {
      "tpu.region"() ({
        %run_scoped3A = tpu.sem_alloc : memref<!tpu.dma_semaphore, #tpu.memory_space<semaphore_mem>>
        tpu.enqueue_dma source(%arg3 : memref<10000xf32, #tpu.memory_space<hbm>>) target(%arg8 : memref<10000xf32, #tpu.memory_space<vmem_shared>>) target_semaphore(%run_scoped3A : memref<!tpu.dma_semaphore, #tpu.memory_space<semaphore_mem>>)
        tpu.wait_dma2 semaphore(%run_scoped3A : memref<!tpu.dma_semaphore, #tpu.memory_space<semaphore_mem>>) src(%arg3 : memref<10000xf32, #tpu.memory_space<hbm>>) dst(%arg8 : memref<10000xf32, #tpu.memory_space<vmem_shared>>)
        tpu.yield
      }) : () -> ()
    } else {
    }
    %barrier3A = arith.constant 0 : index
    tpu.barrier barrier_id(%barrier3A)
    %add3A_62 = arith.constant 0 : i32
    %add3A_63 = arith.addi %add3A_7, %add3A_62 : i32
    %mul3A_64 = arith.constant 128 : i32
    %mul3A_65 = arith.muli %add3A_63, %mul3A_64 : i32
    %dma_start3A = arith.constant 1 : i32
    %dma_start3A_66 = tpu.memref_slice %arg2[%dma_start3A, %mul3A_65] : memref<2x320000xi32, #tpu.memory_space<hbm>> -> memref<1x128xi32, #tpu.memory_space<hbm>>
    %dma_start3A_67 = tpu.memref_squeeze %dma_start3A_66 : memref<1x128xi32, #tpu.memory_space<hbm>> -> memref<128xi32, #tpu.memory_space<hbm>>
    %dma_start3A_68 = tpu.memref_slice %arg2[%dma_start3A, %mul3A_65] : memref<2x320000xi32, #tpu.memory_space<hbm>> -> memref<1x128xi32, #tpu.memory_space<hbm>>
    %dma_start3A_69 = tpu.memref_squeeze %dma_start3A_68 : memref<1x128xi32, #tpu.memory_space<hbm>> -> memref<128xi32, #tpu.memory_space<hbm>>
    tpu.enqueue_dma source(%dma_start3A_69 : memref<128xi32, #tpu.memory_space<hbm>>) target(%arg5 : memref<128xi32, #tpu.memory_space<vmem>>) target_semaphore(%arg9 : memref<!tpu.dma_semaphore, #tpu.memory_space<semaphore_mem>>)
    %add3A_70 = arith.constant 1 : i32
    %add3A_71 = arith.addi %add3A_7, %add3A_70 : i32
    %mul3A_72 = arith.constant 128 : i32
    %mul3A_73 = arith.muli %add3A_71, %mul3A_72 : i32
    %dma_start3A_74 = arith.constant 1 : i32
    %dma_start3A_75 = tpu.memref_slice %arg2[%dma_start3A_74, %mul3A_73] : memref<2x320000xi32, #tpu.memory_space<hbm>> -> memref<1x128xi32, #tpu.memory_space<hbm>>
    %dma_start3A_76 = tpu.memref_squeeze %dma_start3A_75 : memref<1x128xi32, #tpu.memory_space<hbm>> -> memref<128xi32, #tpu.memory_space<hbm>>
    %dma_start3A_77 = tpu.memref_slice %arg2[%dma_start3A_74, %mul3A_73] : memref<2x320000xi32, #tpu.memory_space<hbm>> -> memref<1x128xi32, #tpu.memory_space<hbm>>
    %dma_start3A_78 = tpu.memref_squeeze %dma_start3A_77 : memref<1x128xi32, #tpu.memory_space<hbm>> -> memref<128xi32, #tpu.memory_space<hbm>>
    tpu.enqueue_dma source(%dma_start3A_78 : memref<128xi32, #tpu.memory_space<hbm>>) target(%arg6 : memref<128xi32, #tpu.memory_space<vmem>>) target_semaphore(%arg10 : memref<!tpu.dma_semaphore, #tpu.memory_space<semaphore_mem>>)
    %jit3A = arith.constant 2 : i32
    %div3A = arith.divsi %add3A_12, %jit3A : i32
    %sign3A = arith.constant 0 : i32
    %sign3A_79 = arith.cmpi sgt, %add3A_12, %sign3A : i32
    %sign3A_80 = arith.extui %sign3A_79 : i1 to i32
    %sign3A_81 = arith.constant 0 : i32
    %sign3A_82 = arith.cmpi slt, %add3A_12, %sign3A_81 : i32
    %sign3A_83 = arith.extui %sign3A_82 : i1 to i32
    %sign3A_84 = arith.subi %sign3A_80, %sign3A_83 : i32
    %sign3A_85 = arith.constant 0 : i32
    %sign3A_86 = arith.cmpi sgt, %jit3A, %sign3A_85 : i32
    %sign3A_87 = arith.extui %sign3A_86 : i1 to i32
    %sign3A_88 = arith.constant 0 : i32
    %sign3A_89 = arith.cmpi slt, %jit3A, %sign3A_88 : i32
    %sign3A_90 = arith.extui %sign3A_89 : i1 to i32
    %sign3A_91 = arith.subi %sign3A_87, %sign3A_90 : i32
    %ne3A = arith.cmpi ne, %sign3A_84, %sign3A_91 : i32
    %rem3A = arith.remsi %add3A_12, %jit3A : i32
    %ne3A_92 = arith.constant 0 : i32
    %ne3A_93 = arith.cmpi ne, %rem3A, %ne3A_92 : i32
    %and3A = arith.andi %ne3A, %ne3A_93 : i1
    %sub3A_94 = arith.constant 1 : i32
    %sub3A_95 = arith.subi %div3A, %sub3A_94 : i32
    %select_n3A = arith.select %and3A, %sub3A_95, %div3A : i32
    %while3A = arith.constant 0 : i32
    %while3A_96 = arith.constant 0 : i32
    %while3A_97 = arith.subi %select_n3A, %while3A_96 : i32
    %while3A_98 = arith.addi %while3A_96, %while3A_97 : i32
    %while3A_99 = arith.constant 1 : i32
    %while3A_100 = arith.divsi %while3A_97, %while3A_99 : i32
    %while3A_101 = arith.muli %while3A_100, %while3A_99 : i32
    %while3A_102 = arith.addi %while3A_96, %while3A_101 : i32
    %while3A_103 = arith.constant 1 : i32
    scf.for %while3A_111 = %while3A_96 to %while3A_102 step %while3A_103  : i32 {
      %mul3A_112 = arith.constant 2 : i32
      %mul3A_113 = arith.muli %while3A_111, %mul3A_112 : i32
      %add3A_114 = arith.constant 0 : i32
      %add3A_115 = arith.addi %mul3A_113, %add3A_114 : i32
      %add3A_116 = arith.addi %add3A_7, %add3A_115 : i32
      %mul3A_117 = arith.constant 128 : i32
      %mul3A_118 = arith.muli %add3A_116, %mul3A_117 : i32
      %dma_wait3A = arith.constant 1 : i32
      %dma_wait3A_119 = tpu.memref_slice %arg2[%dma_wait3A, %mul3A_118] : memref<2x320000xi32, #tpu.memory_space<hbm>> -> memref<1x128xi32, #tpu.memory_space<hbm>>
      %dma_wait3A_120 = tpu.memref_squeeze %dma_wait3A_119 : memref<1x128xi32, #tpu.memory_space<hbm>> -> memref<128xi32, #tpu.memory_space<hbm>>
      %dma_wait3A_121 = tpu.memref_slice %arg2[%dma_wait3A, %mul3A_118] : memref<2x320000xi32, #tpu.memory_space<hbm>> -> memref<1x128xi32, #tpu.memory_space<hbm>>
      %dma_wait3A_122 = tpu.memref_squeeze %dma_wait3A_121 : memref<1x128xi32, #tpu.memory_space<hbm>> -> memref<128xi32, #tpu.memory_space<hbm>>
      tpu.wait_dma2 semaphore(%arg9 : memref<!tpu.dma_semaphore, #tpu.memory_space<semaphore_mem>>) src(%dma_wait3A_122 : memref<128xi32, #tpu.memory_space<hbm>>) dst(%arg5 : memref<128xi32, #tpu.memory_space<vmem>>)
      "tpu.region"() ({
        %run_scoped3A = tpu.sem_alloc : memref<!tpu.dma_semaphore, #tpu.memory_space<semaphore_mem>>
        %dma_start3A_146 = arith.constant 0 : i32
        %dma_start3A_147 = tpu.memref_slice %arg8[%dma_start3A_146] : memref<10000xf32, #tpu.memory_space<vmem_shared>> -> memref<10000xf32, #tpu.memory_space<vmem_shared>>
        tpu.enqueue_indirect_dma source(%arg7 : memref<128xf32, #tpu.memory_space<vmem>>) target(%dma_start3A_147 : memref<10000xf32, #tpu.memory_space<vmem_shared>>) offsets(%arg5 : memref<128xi32, #tpu.memory_space<vmem>>) semaphore(%run_scoped3A : memref<!tpu.dma_semaphore, #tpu.memory_space<semaphore_mem>>) {add = true}
        %dma_wait3A_148 = arith.constant 0 : i32
        %dma_wait3A_149 = tpu.memref_slice %arg8[%dma_wait3A_148] : memref<10000xf32, #tpu.memory_space<vmem_shared>> -> memref<10000xf32, #tpu.memory_space<vmem_shared>>
        tpu.wait_indirect_dma semaphore(%run_scoped3A : memref<!tpu.dma_semaphore, #tpu.memory_space<semaphore_mem>>) src(%arg7 : memref<128xf32, #tpu.memory_space<vmem>>) dst(%dma_wait3A_149 : memref<10000xf32, #tpu.memory_space<vmem_shared>>)
        tpu.yield
      }) : () -> ()
      %add3A_123 = arith.constant 2 : i32
      %add3A_124 = arith.addi %add3A_115, %add3A_123 : i32
      %lt3A = arith.cmpi slt, %add3A_124, %add3A_12 : i32
      %convert_element_type3A_125 = arith.extui %lt3A : i1 to i32
      %cond3A_126 = arith.constant 0 : i32
      %cond3A_127 = arith.cmpi ne, %convert_element_type3A_125, %cond3A_126 : i32
      scf.if %cond3A_127 {
        %add3A_146 = arith.constant 2 : i32
        %add3A_147 = arith.addi %add3A_115, %add3A_146 : i32
        %add3A_148 = arith.addi %add3A_7, %add3A_147 : i32
        %mul3A_149 = arith.constant 128 : i32
        %mul3A_150 = arith.muli %add3A_148, %mul3A_149 : i32
        %dma_start3A_151 = arith.constant 1 : i32
        %dma_start3A_152 = tpu.memref_slice %arg2[%dma_start3A_151, %mul3A_150] : memref<2x320000xi32, #tpu.memory_space<hbm>> -> memref<1x128xi32, #tpu.memory_space<hbm>>
        %dma_start3A_153 = tpu.memref_squeeze %dma_start3A_152 : memref<1x128xi32, #tpu.memory_space<hbm>> -> memref<128xi32, #tpu.memory_space<hbm>>
        %dma_start3A_154 = tpu.memref_slice %arg2[%dma_start3A_151, %mul3A_150] : memref<2x320000xi32, #tpu.memory_space<hbm>> -> memref<1x128xi32, #tpu.memory_space<hbm>>
        %dma_start3A_155 = tpu.memref_squeeze %dma_start3A_154 : memref<1x128xi32, #tpu.memory_space<hbm>> -> memref<128xi32, #tpu.memory_space<hbm>>
        tpu.enqueue_dma source(%dma_start3A_155 : memref<128xi32, #tpu.memory_space<hbm>>) target(%arg5 : memref<128xi32, #tpu.memory_space<vmem>>) target_semaphore(%arg9 : memref<!tpu.dma_semaphore, #tpu.memory_space<semaphore_mem>>)
      } else {
      }
      %mul3A_128 = arith.constant 2 : i32
      %mul3A_129 = arith.muli %while3A_111, %mul3A_128 : i32
      %add3A_130 = arith.constant 1 : i32
      %add3A_131 = arith.addi %mul3A_129, %add3A_130 : i32
      %add3A_132 = arith.addi %add3A_7, %add3A_131 : i32
      %mul3A_133 = arith.constant 128 : i32
      %mul3A_134 = arith.muli %add3A_132, %mul3A_133 : i32
      %dma_wait3A_135 = arith.constant 1 : i32
      %dma_wait3A_136 = tpu.memref_slice %arg2[%dma_wait3A_135, %mul3A_134] : memref<2x320000xi32, #tpu.memory_space<hbm>> -> memref<1x128xi32, #tpu.memory_space<hbm>>
      %dma_wait3A_137 = tpu.memref_squeeze %dma_wait3A_136 : memref<1x128xi32, #tpu.memory_space<hbm>> -> memref<128xi32, #tpu.memory_space<hbm>>
      %dma_wait3A_138 = tpu.memref_slice %arg2[%dma_wait3A_135, %mul3A_134] : memref<2x320000xi32, #tpu.memory_space<hbm>> -> memref<1x128xi32, #tpu.memory_space<hbm>>
      %dma_wait3A_139 = tpu.memref_squeeze %dma_wait3A_138 : memref<1x128xi32, #tpu.memory_space<hbm>> -> memref<128xi32, #tpu.memory_space<hbm>>
      tpu.wait_dma2 semaphore(%arg10 : memref<!tpu.dma_semaphore, #tpu.memory_space<semaphore_mem>>) src(%dma_wait3A_139 : memref<128xi32, #tpu.memory_space<hbm>>) dst(%arg6 : memref<128xi32, #tpu.memory_space<vmem>>)
      "tpu.region"() ({
        %run_scoped3A = tpu.sem_alloc : memref<!tpu.dma_semaphore, #tpu.memory_space<semaphore_mem>>
        %dma_start3A_146 = arith.constant 0 : i32
        %dma_start3A_147 = tpu.memref_slice %arg8[%dma_start3A_146] : memref<10000xf32, #tpu.memory_space<vmem_shared>> -> memref<10000xf32, #tpu.memory_space<vmem_shared>>
        tpu.enqueue_indirect_dma source(%arg7 : memref<128xf32, #tpu.memory_space<vmem>>) target(%dma_start3A_147 : memref<10000xf32, #tpu.memory_space<vmem_shared>>) offsets(%arg6 : memref<128xi32, #tpu.memory_space<vmem>>) semaphore(%run_scoped3A : memref<!tpu.dma_semaphore, #tpu.memory_space<semaphore_mem>>) {add = true}
        %dma_wait3A_148 = arith.constant 0 : i32
        %dma_wait3A_149 = tpu.memref_slice %arg8[%dma_wait3A_148] : memref<10000xf32, #tpu.memory_space<vmem_shared>> -> memref<10000xf32, #tpu.memory_space<vmem_shared>>
        tpu.wait_indirect_dma semaphore(%run_scoped3A : memref<!tpu.dma_semaphore, #tpu.memory_space<semaphore_mem>>) src(%arg7 : memref<128xf32, #tpu.memory_space<vmem>>) dst(%dma_wait3A_149 : memref<10000xf32, #tpu.memory_space<vmem_shared>>)
        tpu.yield
      }) : () -> ()
      %add3A_140 = arith.constant 2 : i32
      %add3A_141 = arith.addi %add3A_131, %add3A_140 : i32
      %lt3A_142 = arith.cmpi slt, %add3A_141, %add3A_12 : i32
      %convert_element_type3A_143 = arith.extui %lt3A_142 : i1 to i32
      %cond3A_144 = arith.constant 0 : i32
      %cond3A_145 = arith.cmpi ne, %convert_element_type3A_143, %cond3A_144 : i32
      scf.if %cond3A_145 {
        %add3A_146 = arith.constant 2 : i32
        %add3A_147 = arith.addi %add3A_131, %add3A_146 : i32
        %add3A_148 = arith.addi %add3A_7, %add3A_147 : i32
        %mul3A_149 = arith.constant 128 : i32
        %mul3A_150 = arith.muli %add3A_148, %mul3A_149 : i32
        %dma_start3A_151 = arith.constant 1 : i32
        %dma_start3A_152 = tpu.memref_slice %arg2[%dma_start3A_151, %mul3A_150] : memref<2x320000xi32, #tpu.memory_space<hbm>> -> memref<1x128xi32, #tpu.memory_space<hbm>>
        %dma_start3A_153 = tpu.memref_squeeze %dma_start3A_152 : memref<1x128xi32, #tpu.memory_space<hbm>> -> memref<128xi32, #tpu.memory_space<hbm>>
        %dma_start3A_154 = tpu.memref_slice %arg2[%dma_start3A_151, %mul3A_150] : memref<2x320000xi32, #tpu.memory_space<hbm>> -> memref<1x128xi32, #tpu.memory_space<hbm>>
        %dma_start3A_155 = tpu.memref_squeeze %dma_start3A_154 : memref<1x128xi32, #tpu.memory_space<hbm>> -> memref<128xi32, #tpu.memory_space<hbm>>
        tpu.enqueue_dma source(%dma_start3A_155 : memref<128xi32, #tpu.memory_space<hbm>>) target(%arg6 : memref<128xi32, #tpu.memory_space<vmem>>) target_semaphore(%arg10 : memref<!tpu.dma_semaphore, #tpu.memory_space<semaphore_mem>>)
      } else {
      }
    }
    %while3A_104 = arith.constant 1 : i32
    scf.for %while3A_111 = %while3A_102 to %while3A_98 step %while3A_104  : i32 {
      %mul3A_112 = arith.constant 2 : i32
      %mul3A_113 = arith.muli %while3A_111, %mul3A_112 : i32
      %add3A_114 = arith.constant 0 : i32
      %add3A_115 = arith.addi %mul3A_113, %add3A_114 : i32
      %add3A_116 = arith.addi %add3A_7, %add3A_115 : i32
      %mul3A_117 = arith.constant 128 : i32
      %mul3A_118 = arith.muli %add3A_116, %mul3A_117 : i32
      %dma_wait3A = arith.constant 1 : i32
      %dma_wait3A_119 = tpu.memref_slice %arg2[%dma_wait3A, %mul3A_118] : memref<2x320000xi32, #tpu.memory_space<hbm>> -> memref<1x128xi32, #tpu.memory_space<hbm>>
      %dma_wait3A_120 = tpu.memref_squeeze %dma_wait3A_119 : memref<1x128xi32, #tpu.memory_space<hbm>> -> memref<128xi32, #tpu.memory_space<hbm>>
      %dma_wait3A_121 = tpu.memref_slice %arg2[%dma_wait3A, %mul3A_118] : memref<2x320000xi32, #tpu.memory_space<hbm>> -> memref<1x128xi32, #tpu.memory_space<hbm>>
      %dma_wait3A_122 = tpu.memref_squeeze %dma_wait3A_121 : memref<1x128xi32, #tpu.memory_space<hbm>> -> memref<128xi32, #tpu.memory_space<hbm>>
      tpu.wait_dma2 semaphore(%arg9 : memref<!tpu.dma_semaphore, #tpu.memory_space<semaphore_mem>>) src(%dma_wait3A_122 : memref<128xi32, #tpu.memory_space<hbm>>) dst(%arg5 : memref<128xi32, #tpu.memory_space<vmem>>)
      "tpu.region"() ({
        %run_scoped3A = tpu.sem_alloc : memref<!tpu.dma_semaphore, #tpu.memory_space<semaphore_mem>>
        %dma_start3A_146 = arith.constant 0 : i32
        %dma_start3A_147 = tpu.memref_slice %arg8[%dma_start3A_146] : memref<10000xf32, #tpu.memory_space<vmem_shared>> -> memref<10000xf32, #tpu.memory_space<vmem_shared>>
        tpu.enqueue_indirect_dma source(%arg7 : memref<128xf32, #tpu.memory_space<vmem>>) target(%dma_start3A_147 : memref<10000xf32, #tpu.memory_space<vmem_shared>>) offsets(%arg5 : memref<128xi32, #tpu.memory_space<vmem>>) semaphore(%run_scoped3A : memref<!tpu.dma_semaphore, #tpu.memory_space<semaphore_mem>>) {add = true}
        %dma_wait3A_148 = arith.constant 0 : i32
        %dma_wait3A_149 = tpu.memref_slice %arg8[%dma_wait3A_148] : memref<10000xf32, #tpu.memory_space<vmem_shared>> -> memref<10000xf32, #tpu.memory_space<vmem_shared>>
        tpu.wait_indirect_dma semaphore(%run_scoped3A : memref<!tpu.dma_semaphore, #tpu.memory_space<semaphore_mem>>) src(%arg7 : memref<128xf32, #tpu.memory_space<vmem>>) dst(%dma_wait3A_149 : memref<10000xf32, #tpu.memory_space<vmem_shared>>)
        tpu.yield
      }) : () -> ()
      %add3A_123 = arith.constant 2 : i32
      %add3A_124 = arith.addi %add3A_115, %add3A_123 : i32
      %lt3A = arith.cmpi slt, %add3A_124, %add3A_12 : i32
      %convert_element_type3A_125 = arith.extui %lt3A : i1 to i32
      %cond3A_126 = arith.constant 0 : i32
      %cond3A_127 = arith.cmpi ne, %convert_element_type3A_125, %cond3A_126 : i32
      scf.if %cond3A_127 {
        %add3A_146 = arith.constant 2 : i32
        %add3A_147 = arith.addi %add3A_115, %add3A_146 : i32
        %add3A_148 = arith.addi %add3A_7, %add3A_147 : i32
        %mul3A_149 = arith.constant 128 : i32
        %mul3A_150 = arith.muli %add3A_148, %mul3A_149 : i32
        %dma_start3A_151 = arith.constant 1 : i32
        %dma_start3A_152 = tpu.memref_slice %arg2[%dma_start3A_151, %mul3A_150] : memref<2x320000xi32, #tpu.memory_space<hbm>> -> memref<1x128xi32, #tpu.memory_space<hbm>>
        %dma_start3A_153 = tpu.memref_squeeze %dma_start3A_152 : memref<1x128xi32, #tpu.memory_space<hbm>> -> memref<128xi32, #tpu.memory_space<hbm>>
        %dma_start3A_154 = tpu.memref_slice %arg2[%dma_start3A_151, %mul3A_150] : memref<2x320000xi32, #tpu.memory_space<hbm>> -> memref<1x128xi32, #tpu.memory_space<hbm>>
        %dma_start3A_155 = tpu.memref_squeeze %dma_start3A_154 : memref<1x128xi32, #tpu.memory_space<hbm>> -> memref<128xi32, #tpu.memory_space<hbm>>
        tpu.enqueue_dma source(%dma_start3A_155 : memref<128xi32, #tpu.memory_space<hbm>>) target(%arg5 : memref<128xi32, #tpu.memory_space<vmem>>) target_semaphore(%arg9 : memref<!tpu.dma_semaphore, #tpu.memory_space<semaphore_mem>>)
      } else {
      }
      %mul3A_128 = arith.constant 2 : i32
      %mul3A_129 = arith.muli %while3A_111, %mul3A_128 : i32
      %add3A_130 = arith.constant 1 : i32
      %add3A_131 = arith.addi %mul3A_129, %add3A_130 : i32
      %add3A_132 = arith.addi %add3A_7, %add3A_131 : i32
      %mul3A_133 = arith.constant 128 : i32
      %mul3A_134 = arith.muli %add3A_132, %mul3A_133 : i32
      %dma_wait3A_135 = arith.constant 1 : i32
      %dma_wait3A_136 = tpu.memref_slice %arg2[%dma_wait3A_135, %mul3A_134] : memref<2x320000xi32, #tpu.memory_space<hbm>> -> memref<1x128xi32, #tpu.memory_space<hbm>>
      %dma_wait3A_137 = tpu.memref_squeeze %dma_wait3A_136 : memref<1x128xi32, #tpu.memory_space<hbm>> -> memref<128xi32, #tpu.memory_space<hbm>>
      %dma_wait3A_138 = tpu.memref_slice %arg2[%dma_wait3A_135, %mul3A_134] : memref<2x320000xi32, #tpu.memory_space<hbm>> -> memref<1x128xi32, #tpu.memory_space<hbm>>
      %dma_wait3A_139 = tpu.memref_squeeze %dma_wait3A_138 : memref<1x128xi32, #tpu.memory_space<hbm>> -> memref<128xi32, #tpu.memory_space<hbm>>
      tpu.wait_dma2 semaphore(%arg10 : memref<!tpu.dma_semaphore, #tpu.memory_space<semaphore_mem>>) src(%dma_wait3A_139 : memref<128xi32, #tpu.memory_space<hbm>>) dst(%arg6 : memref<128xi32, #tpu.memory_space<vmem>>)
      "tpu.region"() ({
        %run_scoped3A = tpu.sem_alloc : memref<!tpu.dma_semaphore, #tpu.memory_space<semaphore_mem>>
        %dma_start3A_146 = arith.constant 0 : i32
        %dma_start3A_147 = tpu.memref_slice %arg8[%dma_start3A_146] : memref<10000xf32, #tpu.memory_space<vmem_shared>> -> memref<10000xf32, #tpu.memory_space<vmem_shared>>
        tpu.enqueue_indirect_dma source(%arg7 : memref<128xf32, #tpu.memory_space<vmem>>) target(%dma_start3A_147 : memref<10000xf32, #tpu.memory_space<vmem_shared>>) offsets(%arg6 : memref<128xi32, #tpu.memory_space<vmem>>) semaphore(%run_scoped3A : memref<!tpu.dma_semaphore, #tpu.memory_space<semaphore_mem>>) {add = true}
        %dma_wait3A_148 = arith.constant 0 : i32
        %dma_wait3A_149 = tpu.memref_slice %arg8[%dma_wait3A_148] : memref<10000xf32, #tpu.memory_space<vmem_shared>> -> memref<10000xf32, #tpu.memory_space<vmem_shared>>
        tpu.wait_indirect_dma semaphore(%run_scoped3A : memref<!tpu.dma_semaphore, #tpu.memory_space<semaphore_mem>>) src(%arg7 : memref<128xf32, #tpu.memory_space<vmem>>) dst(%dma_wait3A_149 : memref<10000xf32, #tpu.memory_space<vmem_shared>>)
        tpu.yield
      }) : () -> ()
      %add3A_140 = arith.constant 2 : i32
      %add3A_141 = arith.addi %add3A_131, %add3A_140 : i32
      %lt3A_142 = arith.cmpi slt, %add3A_141, %add3A_12 : i32
      %convert_element_type3A_143 = arith.extui %lt3A_142 : i1 to i32
      %cond3A_144 = arith.constant 0 : i32
      %cond3A_145 = arith.cmpi ne, %convert_element_type3A_143, %cond3A_144 : i32
      scf.if %cond3A_145 {
        %add3A_146 = arith.constant 2 : i32
        %add3A_147 = arith.addi %add3A_131, %add3A_146 : i32
        %add3A_148 = arith.addi %add3A_7, %add3A_147 : i32
        %mul3A_149 = arith.constant 128 : i32
        %mul3A_150 = arith.muli %add3A_148, %mul3A_149 : i32
        %dma_start3A_151 = arith.constant 1 : i32
        %dma_start3A_152 = tpu.memref_slice %arg2[%dma_start3A_151, %mul3A_150] : memref<2x320000xi32, #tpu.memory_space<hbm>> -> memref<1x128xi32, #tpu.memory_space<hbm>>
        %dma_start3A_153 = tpu.memref_squeeze %dma_start3A_152 : memref<1x128xi32, #tpu.memory_space<hbm>> -> memref<128xi32, #tpu.memory_space<hbm>>
        %dma_start3A_154 = tpu.memref_slice %arg2[%dma_start3A_151, %mul3A_150] : memref<2x320000xi32, #tpu.memory_space<hbm>> -> memref<1x128xi32, #tpu.memory_space<hbm>>
        %dma_start3A_155 = tpu.memref_squeeze %dma_start3A_154 : memref<1x128xi32, #tpu.memory_space<hbm>> -> memref<128xi32, #tpu.memory_space<hbm>>
        tpu.enqueue_dma source(%dma_start3A_155 : memref<128xi32, #tpu.memory_space<hbm>>) target(%arg6 : memref<128xi32, #tpu.memory_space<vmem>>) target_semaphore(%arg10 : memref<!tpu.dma_semaphore, #tpu.memory_space<semaphore_mem>>)
      } else {
      }
    }
    %barrier3A_105 = arith.constant 0 : index
    tpu.barrier barrier_id(%barrier3A_105)
    %eq3A_106 = arith.constant 0 : i32
    %eq3A_107 = arith.cmpi eq, %arg1, %eq3A_106 : i32
    %convert_element_type3A_108 = arith.extui %eq3A_107 : i1 to i32
    %cond3A_109 = arith.constant 0 : i32
    %cond3A_110 = arith.cmpi ne, %convert_element_type3A_108, %cond3A_109 : i32
    scf.if %cond3A_110 {
      "tpu.region"() ({
        %run_scoped3A = tpu.sem_alloc : memref<!tpu.dma_semaphore, #tpu.memory_space<semaphore_mem>>
        %dma_start3A_111 = arith.constant 0 : i32
        %dma_start3A_112 = tpu.memref_slice %arg4[%arg0, %dma_start3A_111] : memref<2x10000xf32, #tpu.memory_space<hbm>> -> memref<1x10000xf32, #tpu.memory_space<hbm>>
        %dma_start3A_113 = tpu.memref_squeeze %dma_start3A_112 : memref<1x10000xf32, #tpu.memory_space<hbm>> -> memref<10000xf32, #tpu.memory_space<hbm>>
        tpu.enqueue_dma source(%arg8 : memref<10000xf32, #tpu.memory_space<vmem_shared>>) target(%dma_start3A_113 : memref<10000xf32, #tpu.memory_space<hbm>>) target_semaphore(%run_scoped3A : memref<!tpu.dma_semaphore, #tpu.memory_space<semaphore_mem>>)
        %dma_wait3A = arith.constant 0 : i32
        %dma_wait3A_114 = tpu.memref_slice %arg4[%arg0, %dma_wait3A] : memref<2x10000xf32, #tpu.memory_space<hbm>> -> memref<1x10000xf32, #tpu.memory_space<hbm>>
        %dma_wait3A_115 = tpu.memref_squeeze %dma_wait3A_114 : memref<1x10000xf32, #tpu.memory_space<hbm>> -> memref<10000xf32, #tpu.memory_space<hbm>>
        tpu.wait_dma2 semaphore(%run_scoped3A : memref<!tpu.dma_semaphore, #tpu.memory_space<semaphore_mem>>) src(%arg8 : memref<10000xf32, #tpu.memory_space<vmem_shared>>) dst(%dma_wait3A_115 : memref<10000xf32, #tpu.memory_space<hbm>>)
        tpu.yield
      }) : () -> ()
    } else {
    }
    return
  }
}

module attributes {stable_mosaic.version = 14 : i64} {
  func.func @_scale_body(%arg0: i32, %arg1: memref<2000x128xf32, #tpu.memory_space<vmem>>, %arg2: memref<128x128xf32, #tpu.memory_space<vmem>>, %arg3: memref<2x2000x1xf32, #tpu.memory_space<vmem>>, %arg4: memref<2000x128xf32, #tpu.memory_space<vmem>>) attributes {dimension_semantics = [#tpu.dimension_semantics<arbitrary>], iteration_bounds = array<i64: 5>, scalar_prefetch = 0 : i64, scratch_operands = 0 : i64, tpu.core_type = #tpu.core_type<tc>, window_params = [{transform_indices = @transform_0, window_bounds = array<i64: 2000, 128>}, {pipeline_mode = #tpu.pipeline_mode<synchronous>, transform_indices = @transform_1, window_bounds = array<i64: 128, 128>}, {transform_indices = @transform_2, window_bounds = array<i64: 2, 2000, 1>}, {transform_indices = @transform_3, window_bounds = array<i64: 2000, 128>}]} {
    %get3A = arith.constant 0 : index
    %get3A_0 = arith.constant 0 : index
    %get3A_1 = arith.constant 0 : index
    %get3A_2 = vector.load %arg3[%get3A, %get3A_0, %get3A_1] : memref<2x2000x1xf32, #tpu.memory_space<vmem>>, vector<1x2000x1xf32>
    %get3A_3 = vector.shape_cast %get3A_2 : vector<1x2000x1xf32> to vector<2000x1xf32>
    %get3A_4 = arith.constant 1 : index
    %get3A_5 = arith.constant 0 : index
    %get3A_6 = arith.constant 0 : index
    %get3A_7 = vector.load %arg3[%get3A_4, %get3A_5, %get3A_6] : memref<2x2000x1xf32, #tpu.memory_space<vmem>>, vector<1x2000x1xf32>
    %get3A_8 = vector.shape_cast %get3A_7 : vector<1x2000x1xf32> to vector<2000x1xf32>
    %add3A = arith.addf %get3A_3, %get3A_8 : vector<2000x1xf32>
    %add3A_9 = arith.constant 1.000000e+00 : f32
    %add3A_10 = vector.broadcast %add3A_9 : f32 to vector<2000x1xf32>
    %add3A_11 = arith.addf %add3A, %add3A_10 : vector<2000x1xf32>
    %rsqrt3A = math.rsqrt %add3A_11 : vector<2000x1xf32>
    %get3A_12 = arith.constant 0 : index
    %get3A_13 = arith.constant 0 : index
    %get3A_14 = vector.load %arg1[%get3A_12, %get3A_13] : memref<2000x128xf32, #tpu.memory_space<vmem>>, vector<2000x128xf32>
    %get3A_15 = arith.constant 0 : index
    %get3A_16 = arith.constant 0 : index
    %get3A_17 = vector.load %arg2[%get3A_15, %get3A_16] : memref<128x128xf32, #tpu.memory_space<vmem>>, vector<128x128xf32>
    %dot_general3A = arith.constant dense<0.000000e+00> : vector<2000x128xf32>
    %dot_general3A_18 = tpu.matmul %get3A_14, %get3A_17, %dot_general3A {dimension_numbers = #tpu.dot_dimension_numbers<[1], [0], [0], [1], [0, 0, 1, 1], [], []>, transpose_lhs_hint = false} : vector<2000x128xf32>, vector<128x128xf32>, vector<2000x128xf32> -> vector<2000x128xf32>
    %mul3A = vector.broadcast %rsqrt3A : vector<2000x1xf32> to vector<2000x128xf32>
    %mul3A_19 = arith.mulf %dot_general3A_18, %mul3A : vector<2000x128xf32>
    %swap3A = arith.constant 0 : index
    %swap3A_20 = arith.constant 0 : index
    %swap3A_21 = vector.load %arg4[%swap3A, %swap3A_20] : memref<2000x128xf32, #tpu.memory_space<vmem>>, vector<2000x128xf32>
    tpu.vector_store %arg4[%swap3A, %swap3A_20], %mul3A_19 {strides = array<i32>} : memref<2000x128xf32, #tpu.memory_space<vmem>>, vector<2000x128xf32>,
    return
  }
  func.func @transform_0(%arg0: i32) -> (i32, i32) {
    %c0_i32 = arith.constant 0 : i32
    %c0_i32_0 = arith.constant 0 : i32
    return %arg0, %c0_i32 : i32, i32
  }
  func.func @transform_1(%arg0: i32) -> (i32, i32) {
    %c0_i32 = arith.constant 0 : i32
    %c0_i32_0 = arith.constant 0 : i32
    %c0_i32_1 = arith.constant 0 : i32
    return %c0_i32, %c0_i32_0 : i32, i32
  }
  func.func @transform_2(%arg0: i32) -> (i32, i32, i32) {
    %c0_i32 = arith.constant 0 : i32
    %c0_i32_0 = arith.constant 0 : i32
    %c0_i32_1 = arith.constant 0 : i32
    return %c0_i32, %arg0, %c0_i32_0 : i32, i32, i32
  }
  func.func @transform_3(%arg0: i32) -> (i32, i32) {
    %c0_i32 = arith.constant 0 : i32
    %c0_i32_0 = arith.constant 0 : i32
    return %arg0, %c0_i32 : i32, i32
  }
}

module attributes {stable_mosaic.version = 14 : i64} {
  func.func @_combine_body(%arg0: i32, %arg1: memref<2x2000x128xf32, #tpu.memory_space<vmem>>, %arg2: memref<2000x128xf32, #tpu.memory_space<vmem>>, %arg3: memref<2x2000x1xf32, #tpu.memory_space<vmem>>, %arg4: memref<1x128xf32, #tpu.memory_space<vmem>>, %arg5: memref<2000x128xf32, #tpu.memory_space<vmem>>) attributes {dimension_semantics = [#tpu.dimension_semantics<arbitrary>], iteration_bounds = array<i64: 5>, scalar_prefetch = 0 : i64, scratch_operands = 0 : i64, tpu.core_type = #tpu.core_type<tc>, window_params = [{transform_indices = @transform_0, window_bounds = array<i64: 2, 2000, 128>}, {transform_indices = @transform_1, window_bounds = array<i64: 2000, 128>}, {transform_indices = @transform_2, window_bounds = array<i64: 2, 2000, 1>}, {pipeline_mode = #tpu.pipeline_mode<synchronous>, transform_indices = @transform_3, window_bounds = array<i64: 1, 128>}, {transform_indices = @transform_4, window_bounds = array<i64: 2000, 128>}]} {
    %get3A = arith.constant 0 : index
    %get3A_0 = arith.constant 0 : index
    %get3A_1 = arith.constant 0 : index
    %get3A_2 = vector.load %arg3[%get3A, %get3A_0, %get3A_1] : memref<2x2000x1xf32, #tpu.memory_space<vmem>>, vector<1x2000x1xf32>
    %get3A_3 = vector.shape_cast %get3A_2 : vector<1x2000x1xf32> to vector<2000x1xf32>
    %get3A_4 = arith.constant 1 : index
    %get3A_5 = arith.constant 0 : index
    %get3A_6 = arith.constant 0 : index
    %get3A_7 = vector.load %arg3[%get3A_4, %get3A_5, %get3A_6] : memref<2x2000x1xf32, #tpu.memory_space<vmem>>, vector<1x2000x1xf32>
    %get3A_8 = vector.shape_cast %get3A_7 : vector<1x2000x1xf32> to vector<2000x1xf32>
    %add3A = arith.addf %get3A_3, %get3A_8 : vector<2000x1xf32>
    %add3A_9 = arith.constant 1.000000e+00 : f32
    %add3A_10 = vector.broadcast %add3A_9 : f32 to vector<2000x1xf32>
    %add3A_11 = arith.addf %add3A, %add3A_10 : vector<2000x1xf32>
    %rsqrt3A = math.rsqrt %add3A_11 : vector<2000x1xf32>
    %get3A_12 = arith.constant 0 : index
    %get3A_13 = arith.constant 0 : index
    %get3A_14 = arith.constant 0 : index
    %get3A_15 = vector.load %arg1[%get3A_12, %get3A_13, %get3A_14] : memref<2x2000x128xf32, #tpu.memory_space<vmem>>, vector<1x2000x128xf32>
    %get3A_16 = vector.shape_cast %get3A_15 : vector<1x2000x128xf32> to vector<2000x128xf32>
    %get3A_17 = arith.constant 1 : index
    %get3A_18 = arith.constant 0 : index
    %get3A_19 = arith.constant 0 : index
    %get3A_20 = vector.load %arg1[%get3A_17, %get3A_18, %get3A_19] : memref<2x2000x128xf32, #tpu.memory_space<vmem>>, vector<1x2000x128xf32>
    %get3A_21 = vector.shape_cast %get3A_20 : vector<1x2000x128xf32> to vector<2000x128xf32>
    %add3A_22 = arith.addf %get3A_16, %get3A_21 : vector<2000x128xf32>
    %get3A_23 = arith.constant 0 : index
    %get3A_24 = arith.constant 0 : index
    %get3A_25 = vector.load %arg2[%get3A_23, %get3A_24] : memref<2000x128xf32, #tpu.memory_space<vmem>>, vector<2000x128xf32>
    %add3A_26 = arith.addf %add3A_22, %get3A_25 : vector<2000x128xf32>
    %mul3A = vector.broadcast %rsqrt3A : vector<2000x1xf32> to vector<2000x128xf32>
    %mul3A_27 = arith.mulf %mul3A, %add3A_26 : vector<2000x128xf32>
    %get3A_28 = arith.constant 0 : index
    %get3A_29 = arith.constant 0 : index
    %get3A_30 = vector.load %arg4[%get3A_28, %get3A_29] : memref<1x128xf32, #tpu.memory_space<vmem>>, vector<1x128xf32>
    %add3A_31 = vector.broadcast %get3A_30 : vector<1x128xf32> to vector<2000x128xf32>
    %add3A_32 = arith.addf %mul3A_27, %add3A_31 : vector<2000x128xf32>
    %max3A = arith.constant 0.000000e+00 : f32
    %max3A_33 = vector.broadcast %max3A : f32 to vector<2000x128xf32>
    %max3A_34 = arith.maximumf %add3A_32, %max3A_33 : vector<2000x128xf32>
    %swap3A = arith.constant 0 : index
    %swap3A_35 = arith.constant 0 : index
    %swap3A_36 = vector.load %arg5[%swap3A, %swap3A_35] : memref<2000x128xf32, #tpu.memory_space<vmem>>, vector<2000x128xf32>
    tpu.vector_store %arg5[%swap3A, %swap3A_35], %max3A_34 {strides = array<i32>} : memref<2000x128xf32, #tpu.memory_space<vmem>>, vector<2000x128xf32>,
    return
  }
  func.func @transform_0(%arg0: i32) -> (i32, i32, i32) {
    %c0_i32 = arith.constant 0 : i32
    %c0_i32_0 = arith.constant 0 : i32
    %c0_i32_1 = arith.constant 0 : i32
    return %c0_i32, %arg0, %c0_i32_0 : i32, i32, i32
  }
  func.func @transform_1(%arg0: i32) -> (i32, i32) {
    %c0_i32 = arith.constant 0 : i32
    %c0_i32_0 = arith.constant 0 : i32
    return %arg0, %c0_i32 : i32, i32
  }
  func.func @transform_2(%arg0: i32) -> (i32, i32, i32) {
    %c0_i32 = arith.constant 0 : i32
    %c0_i32_0 = arith.constant 0 : i32
    %c0_i32_1 = arith.constant 0 : i32
    return %c0_i32, %arg0, %c0_i32_0 : i32, i32, i32
  }
  func.func @transform_3(%arg0: i32) -> (i32, i32) {
    %c0_i32 = arith.constant 0 : i32
    %c0_i32_0 = arith.constant 0 : i32
    %c0_i32_1 = arith.constant 0 : i32
    return %c0_i32, %c0_i32_0 : i32, i32
  }
  func.func @transform_4(%arg0: i32) -> (i32, i32) {
    %c0_i32 = arith.constant 0 : i32
    %c0_i32_0 = arith.constant 0 : i32
    return %arg0, %c0_i32 : i32, i32
  }
}

</mosaic_0001>

<sc_bundles>
// kernel: kernel.6.cloned.1.call-start
scs
__scs_entry_jumppad:
0x0: {  	(pc) =	sbr.rel $0x88, $3  }
0x1: {  	(tag) =	ssettag $0x0;
	lr =	simm.s32 $0x1  }
0x2: {  	[smem:$0x3F9D] =	sst lr;
	_ =	strace $0xD0000000  }
0x3: {  	_ = 	snop  }
0x4: {  	_ = 	snop  }
0x5: {  	_ = 	snop  }
0x6: {  	_ = 	snop  }
0x7: {  	_ = 	snop  }
__scs_overlays_trampoline_lowered:
0x8: {  	[smem:$0x3FAC] =	sst s0  }
0x9: {  	[smem:$0x3FAD] =	sst s1  }
0xa: {  	[smem:$0x3FAE] =	sst s2  }
0xb: {  	[smem:$0x3FAF] =	sst s3  }
0xc: {  	[smem:$0x3FB0] =	sst s4  }
0xd: {  	[smem:$0x3FB1] =	sst s5  }
0xe: {  	[smem:$0x3FB2] =	sst s6  }
0xf: {  	[smem:$0x3FB3] =	sst s7  }
0x10: {  	[smem:$0x3FB4] =	sst s8  }
0x11: {  	[smem:$0x3FB5] =	sst s9;
	s0 =	simm.s32 @!p0 $0x0  }
0x12: {  	s1 =	sld [smem:$0x3F9B];
	s0 =	simm.s32 @p0 $0x1  }
0x13: {  	[smem:$0x3FB6] =	sst s0;
	s0 =	simm.s32 @!p1 $0x0  }
0x14: {  	s2 =	sld [smem:$0x3F9A];
	s0 =	simm.s32 @p1 $0x1  }
0x15: {  	[smem:$0x3FB7] =	sst s0;
	s0 =	simm.s32 @!p2 $0x0  }
0x16: {  	s3 =	sld [smem:$0x3FDB];
	s0 =	simm.s32 @p2 $0x1  }
0x17: {  	s4 =	simm.s32 $0x1BF5;
	[smem:$0x3FB9] =	sst s0  }
0x18: {  	s0 =	sld [smem:$0x3F9C];
	_ =	swait.ge [sflag:s4], $0x0  }
0x19: {  	s7 =	sld [smem:$0x3F9D]  }
0x1a: {  	s8 =	sadd.s32 $0xFFFFE003, lr  }
0x1b: {  	s9 =	sadd.s32 $0xFFFFFEF7, lr;
	s5 =	simm.s32 $0xFFFFFFFF;
	p2 =	slt.u32 s8, $0xFFFFF086  }
0x1c: {  	p1 =	slt.u32 s9, $0xF7A;
	s5 =	simm.s32 @!p2 $0x0  }
0x1d: {  	s5 =	simm.s32 @p1 $0x1;
	p0 =	seq.s32 s7, s2  }
0x1e: {  	s7 =	smul.u32 @!p0 $0xF7A, s2;
	p2 =	seq.s32 @!p0 s5, $0x0  }
0x1f: {  	s9 =	smul.u32 $0xF7A, s1;
	s8 =	simm.s32 @!p0 $0x1BF5;
	p2 =	por !p2, p0  }
0x20: {  	[sflag:s8] =	ssyncset.s32 @!p0 $0xFFFFF086;
	s6 =	sadd.s32 @!p0 s3, s7;
	s7 =	simm.s32 @!p0 $0x108  }
0x21: {  	s3 =	sadd.s32 s3, s9;
	s6 =	sadd.s32 @!p0 $0x88, s6;
	s7 =	simm.s32 @p2 $0x1082  }
0x22: {  	[simem:s7], [sflag:s8] =	dma.local @!p0 [hbm:s6], $0xF7A  }
0x23: {  	s9 =	sor.u32 $0xD0000000, s2;
	s6 =	simm.s32 $0x108;
	_ =	swait.ge @!p0 [sflag:s8], $0x0  }
0x24: {  	s3 =	sadd.s32 $0x88, s3;
	s6 =	simm.s32 @!p1 $0x1082;
	[sflag:s4] =	ssyncset.s32 $0xFFFFF086  }
0x25: {  	[simem:s6], [sflag:s4] =	dma.local [hbm:s3], $0xF7A  }
0x26: {  	[smem:$0x3F9D] =	sst s1;
	(tag) =	ssettag s2;
	_ =	strace s9  }
0x27: {  	s1 =	sld [smem:$0x3FAD]  }
0x28: {  	s2 =	sld [smem:$0x3FAE]  }
0x29: {  	s4 =	sld [smem:$0x3FB0]  }
0x2a: {  	p0 =	seq.s32 s5, $0x0;
	s5 =	sld [smem:$0x3FB1]  }
0x2b: {  	s6 =	sld [smem:$0x3FB2]  }
0x2c: {  	s7 =	sld [smem:$0x3FB3]  }
0x2d: {  	s3 =	simm.s32 $0x108;
	s8 =	sld [smem:$0x3FB4]  }
0x2e: {  	s3 =	simm.s32 @!p0 $0x1082;
	s9 =	sld [smem:$0x3FB5]  }
0x2f: {  	lr =	sadd.s32 s0, s3;
	s0 =	sld [smem:$0x3FAC]  }
0x30: {  	s3 =	sld [smem:$0x3FAF]  }
0x31: {  	[smem:$0x3FB8] =	sst s10  }
0x32: {  	s10 =	sld [smem:$0x3FB6];
	_ =	sdelay $0x3  }
0x33: {  	p0 =	seq.s32 s10, $0x1;
	s10 =	sld [smem:$0x3FB8];
	_ =	sdelay $0x3  }
0x34: {  	[smem:$0x3FB8] =	sst s10  }
0x35: {  	s10 =	sld [smem:$0x3FB7];
	_ =	sdelay $0x3  }
0x36: {  	p1 =	seq.s32 s10, $0x1;
	s10 =	sld [smem:$0x3FB8];
	_ =	sdelay $0x3  }
0x37: {  	[smem:$0x3FB8] =	sst s10  }
0x38: {  	s10 =	sld [smem:$0x3FB9]  }
0x39: {  	_ = 	snop;
	(pc) =	sbr.ind lr, $3  }
0x3a: {  	_ = 	snop  }
0x3b: {  	_ = 	snop  }
0x3c: {  	p2 =	seq.s32 s10, $0x1;
	s10 =	sld [smem:$0x3FB8]  }
0x3d: {  	_ =	shalt  }
0x3e: {  	_ =	shalt  }
0x3f: {  	_ =	shalt  }
0x40: {  	_ =	shalt  }
0x41: {  	_ =	shalt  }
0x42: {  	_ =	shalt  }
0x43: {  	_ =	shalt  }
0x44: {  	_ =	shalt  }
0x45: {  	_ =	shalt  }
0x46: {  	_ =	shalt  }
0x47: {  	_ =	shalt  }
0x48: {  	_ =	shalt  }
0x49: {  	_ =	shalt  }
0x4a: {  	_ =	shalt  }
0x4b: {  	_ =	shalt  }
0x4c: {  	_ =	shalt  }
0x4d: {  	_ =	shalt  }
0x4e: {  	_ =	shalt  }
0x4f: {  	_ =	shalt  }
0x50: {  	_ =	shalt  }
0x51: {  	_ =	shalt  }
0x52: {  	_ =	shalt  }
0x53: {  	_ =	shalt  }
0x54: {  	_ =	shalt  }
0x55: {  	_ =	shalt  }
0x56: {  	_ =	shalt  }
0x57: {  	_ =	shalt  }
0x58: {  	_ =	shalt  }
0x59: {  	_ =	shalt  }
0x5a: {  	_ =	shalt  }
0x5b: {  	_ =	shalt  }
0x5c: {  	_ =	shalt  }
0x5d: {  	_ =	shalt  }
0x5e: {  	_ =	shalt  }
0x5f: {  	_ =	shalt  }
0x60: {  	_ =	shalt  }
0x61: {  	_ =	shalt  }
0x62: {  	_ =	shalt  }
0x63: {  	_ =	shalt  }
0x64: {  	_ =	shalt  }
0x65: {  	_ =	shalt  }
0x66: {  	_ =	shalt  }
0x67: {  	_ =	shalt  }
0x68: {  	_ =	shalt  }
0x69: {  	_ =	shalt  }
0x6a: {  	_ =	shalt  }
0x6b: {  	_ =	shalt  }
0x6c: {  	_ =	shalt  }
0x6d: {  	_ =	shalt  }
0x6e: {  	_ =	shalt  }
0x6f: {  	_ =	shalt  }
0x70: {  	_ =	shalt  }
0x71: {  	_ =	shalt  }
0x72: {  	_ =	shalt  }
0x73: {  	_ =	shalt  }
0x74: {  	_ =	shalt  }
0x75: {  	_ =	shalt  }
0x76: {  	_ =	shalt  }
0x77: {  	_ =	shalt  }
0x78: {  	_ =	shalt  }
0x79: {  	_ =	shalt  }
0x7a: {  	_ =	shalt  }
0x7b: {  	_ =	shalt  }
0x7c: {  	_ =	shalt  }
0x7d: {  	_ =	shalt  }
0x7e: {  	_ =	shalt  }
0x7f: {  	_ =	shalt  }
0x80: {  	_ =	shalt  }
0x81: {  	_ =	shalt  }
0x82: {  	_ =	shalt  }
0x83: {  	_ =	shalt  }
0x84: {  	_ =	shalt  }
0x85: {  	_ =	shalt  }
0x86: {  	_ =	shalt  }
0x87: {  	_ =	shalt  }
.Lfunc_end0:
.L_simem_size_0:
called_computation_lowered:
.L_overlay_start_0:
0x88: {  	s2 =	sld [smem:$0x3FD9]  }
0x89: {  	s3 =	sld [smem:$0x3FFE];
	_ =	sdelay $0x1  }
0x8a: {  	s1 =	srdreg.scid  }
0x8b: {  	s0 =	sand.u32 $0x1, s1  }
0x8c: {  	s17 =	sshll.u32 s0, $0xA;
	s2 =	sadd.s32 s3, s2  }
0x8d: {  	s2 =	sadd.s32 s2, s17  }
0x8e: {  	[smem:$0x3FC4] =	sst s2  }
0x8f: {  	_ = 	snop  }
0x90: {  	s2 =	sld [smem:$0x3FC8]  }
0x91: {  	s18 =	sld [smem:$0x3FD0];
	(tm) =	ssettm $0x1  }
0x92: {  	s4 =	sld [smem:$0x3FFB];
	_ =	sdelay $0x3  }
0x93: {  	_ =	strace s4  }
0x94: {  	s4 =	sld [smem:$0x3FFC];
	_ =	sdelay $0x3  }
0x95: {  	_ =	strace s4  }
0x96: {  	s4 =	sld [smem:$0x3FFD];
	_ =	sdelay $0x3  }
0x97: {  	_ =	strace s4  }
0x98: {  	_ =	strace $0x8FFFFFFF  }
0x99: {  	s19 =	sld [smem:$0x3FDB];
	_ =	sdelay $0x1  }
0x9a: {  	s5 =	simm.s32 $_scs_section_size  }
0x9b: {  	s6 =	simm.s32 $_size__tile_overlayer_lowered;
	s7 =	simm.s32 $_tile_overlayer_lowered  }
0x9c: {  	s22 =	simm.s32 $0x1BFF;
	s21 =	sshll.u32 s7, $0x1;
	s4 =	sadd.s32 s5, s19  }
0x9d: {  	s8 =	simm.s32 $0x0;
	s20 =	sshll.u32 s6, $0x1;
	s6 =	sadd.s32 s21, s4  }
0x9e: {  	[timem:s8], [sflag:s22] =	dma.local [hbm:s6], s20  }
0x9f: {  	_ =	swait.ge [sflag:s22], s20  }
0xa0: {  	s5 =	ssub.s32 $0x0, s20;
	[sflag:s22] =	ssyncset.done $0x0  }
0xa1: {  	[sflag:s22] =	ssyncadd.s32 s5;
	_ =	sdelay $0x1  }
0xa2: {  	s23 =	simm.s32 $0x1B8B  }
0xa3: {  	_ =	swait.ge [sflag:s23], $0x1  }
0xa4: {  	[sflag:s23] =	ssyncset.done $0x0  }
0xa5: {  	s25 =	simm.s32 $0x1B8E;
	s24 =	sld [smem:$0x3FFE];
	[sflag:s23] =	ssyncadd.s32 $0xFFFFFFFF  }
0xa6: {  	s26 =	simm.s32 $execute0_lowered;
	[smem:$0x3FD2] =	sst s25  }
0xa7: {  	s6 =	sshll.u32 s26, $0x1;
	_ =	strace $0x80000046;
	[dreg:$0x1] =	wrdreg $0xFFFFFFFF  }
0xa8: {  	s28 =	simm.s32 $_size_execute0_lowered;
	s4 =	sadd.s32 s4, s6;
	[dreg:$0x0] =	wrdreg $0x0  }
0xa9: {  	s6 =	sshll.u32 s28, $0x1;
	[dreg:$0x2] =	wrdreg s4  }
0xaa: {  	[dreg:$0x3] =	wrdreg s6  }
0xab: {  	[dreg:$0x4] =	wrdreg $0xC0  }
0xac: {  	_ =	task [dreg:s8], $0x5FFFF  }
0xad: {  	[dreg:$0x1] =	wrdreg $0xFFFFFFFF  }
0xae: {  	[dreg:$0x0] =	wrdreg $0x60  }
0xaf: {  	[dreg:$0x2] =	wrdreg s2  }
0xb0: {  	[dreg:$0x3] =	wrdreg s24  }
0xb1: {  	[dreg:$0x4] =	wrdreg s18  }
0xb2: {  	[dreg:$0x5] =	wrdreg $0x1800  }
0xb3: {  	[dreg:$0x6] =	wrdreg $0x9  }
0xb4: {  	_ =	task.clear_ibuf [dreg:s8], $0x7FFFF;
	_ =	strace $0x90000046  }
0xb5: {  	s29 =	simm.s32 $0x9;
	_ =	strace $0x80000048  }
0xb6: {  	_ =	swait.ge [sflag:s29], $0x1  }
0xb7: {  	[sflag:s29] =	ssyncadd.s32 $0xFFFFFFFF  }
0xb8: {  	_ =	strace $0x90000048  }
0xb9: {  	_ =	sfence  }
0xba: {  	s30 =	sld [smem:$0x0];
	_ =	sdelay $0x2  }
0xbb: {  	s31 =	sshll.u32 s1, $0xD;
	s1 =	sshrl.u32 s1, $0x2  }
0xbc: {  	s3 =	sand.u32 $0x4000, s31;
	s1 =	sadd.s32 s1, s30  }
0xbd: {  	s0 =	sor.u32 s3, s0;
	s1 =	sshll.u32 s1, $0x11  }
0xbe: {  	s0 =	sor.u32 s1, s0  }
0xbf: {  	s0 =	sadd.s32 $0x8F2B, s0  }
0xc0: {  	[sflag:s0] =	ssyncadd.remote.s32 $0x1  }
0xc1: {  	_ =	sfence.sel $0xFFFF  }
0xc2: {  	[dreg:$0x0] =	wrdreg $0xFFFFFFFF;
	(pc) =	sbr.abs _section_cstart, $3  }
0xc3: {  	[dreg:$0x1] =	wrdreg $0xFFFFFFFF  }
0xc4: {  	_ =	task.clear_ibuf [dreg:s8], $0x2FFFF;
	_ =	strace $0x9FFFFFFF  }
0xc5: {  	(tm) =	ssettm $0x7FFFFFFF  }
tec
execute0_lowered:
.L_overlay_start_1:
0x0: {  	(tag) =	ssettag $0x1  }
0x1: {  	s12 =	rddreg [dreg:$0x0]  }
0x2: {  	s3 =	rddreg [dreg:$0x1]  }
0x3: {  	s7 =	rddreg [dreg:$0x2]  }
0x4: {  	s0 =	srdreg.scid;
	s13 =	stileid.u32  }
0x5: {  	s1 =	rddreg [dreg:$0x3];
	s2 =	simm.s32 $0x0;
	s18 =	simm.s32 $0x100  }
0x6: {  	s19 =	simm.s32 $0x3;
	s20 =	simm.s32 $0x2;
	s21 =	simm.s32 $0x0  }
0x7: {  	s5 =	sand.u32 $0x1, s0;
	s4 =	sshll.u32 s13, $0x1;
	s0 =	rddreg [dreg:$0x4]  }
0x8: {  	[smem:$0x7FF] =	sst s2;
	s3 =	sadd.s32 $0x1C00, s3;
	p0 =	seq.s32 s13, $0xF  }
0x9: {  	s14 =	sadd.s32 $0x10, s12;
	s28 =	smul.u32 $0x9C, s13;
	s15 =	sadd.s32 $0x30, s12  }
0xa: {  	s4 =	sor.u32 s5, s4;
	_ =	strace $0x80000047;
	s17 =	smul.u32 $0x4E, s5  }
0xb: {  	s8 =	ssub.s32 $0x2, s5;
	s16 =	sshll.u32 s5, $0x4;
	s6 =	smul.u32 $0x4E, s4  }
0xc: {  	s4 =	smax.u32 s4, $0x1E;
	s9 =	sshrl.u32 s8, $0x1;
	s7 =	sadd.s32 s7, s16  }
0xd: {  	s10 =	sshll.u32 s4, $0x1;
	s8 =	ssub.s32 s8, s9;
	s29 =	sadd.s32 s17, s28  }
0xe: {  	s17 =	simm.s32 $0x1;
	s4 =	sadd.s32 s10, s6;
	s8 =	smax.u32 s8, $0x1  }
0xf: {  	s16 =	sadd.s32 s10, s29;
	s11 =	sshll.u32 s4, $0x5;
	s4 =	simm.s32 $0x50  }
0x10: {  	s16 =	sshll.u32 s16, $0x5;
	s4 =	simm.s32 @!p0 $0x4E;
	s26 =	sadd.s32 $0xFFFFF880, s11  }
0x11: {  	s11 =	sadd.s32 $0x260, s11;
	s12 =	sadd.s32 s12, s16;
	s16 =	sadd.s32 $0xFFFFF8C0, s16  }
0x12: {  	p0 =	sne.s32 s13, $0x0;
	s6 =	sand.u32 $0x1FFFFFC0, s26;
	s9 =	sadd.s32 $0xFFFFFFFD, s4  }
0x13: {  	s11 =	sand.u32 $0x1FFFFFE0, s11;
	s30 =	sshll.u32 s4, $0x5;
	s12 =	sadd.s32 $0xFFFFF8D0, s12  }
0x14: {  	s31 =	sand.u32 $0xFFFFC0, s16;
	s13 =	sadd.s32 s14, s16;
	s16 =	simm.s32 $0x80  }
0x15: {  	s5 =	sadd.s32 s6, s14;
	s6 =	sadd.s32 s6, s15;
	s10 =	sadd.s32 s11, s14  }
0x16: {  	v0 =	vimm.f32 $1.000000000e+00;
	s11 =	sadd.s32 $0xFFFFFFC0, s30;
	s14 =	sadd.s32 s31, s15;
	s15 =	sshrl.u32 @!p0 s1, $0x3  }
.LBB2_1:
0x17: {  	[tilespmem:$0x100] =	vst v0  }
0x18: {  	[tilespmem:$0x110] =	vst v0  }
0x19: {  	[tilespmem:$0x120] =	vst v0  }
0x1a: {  	[tilespmem:$0x130] =	vst v0  }
0x1b: {  	[tilespmem:$0x140] =	vst v0  }
0x1c: {  	[tilespmem:$0x150] =	vst v0  }
0x1d: {  	[tilespmem:$0x160] =	vst v0  }
0x1e: {  	[tilespmem:$0x170] =	vst v0;
	s23 =	simm.s32 @!p0 $0x1C03;
	s22 =	simm.s32 @!p0 $0x3  }
0x1f: {  	[spmem:s15], [sflag:s23] =	dma.local @!p0 [hbm:s3], $0x4F0  }
0x20: {  	_ =	swait.ge @!p0 [sflag:s22], $0x4F0  }
0x21: {  	[sflag:s22] =	ssyncset.done @!p0 $0x0  }
0x22: {  	[sflag:s22] =	ssyncadd.s32 @!p0 $0xFFFFFB10  }
0x23: {  	[bflag:$0x0] =	sbarrier.arrive $0xFFFF  }
0x24: {  	[tilespmem:s2], [sflag:$0x1] =	stream.linear.gather [hbm4b:s5+s2], $0x80, $0x38;
	[tilespmem:$0x3F8] =	vst v63  }
0x25: {  	_ = 	snop  }
0x26: {  	[tilespmem:s16], [sflag:$0x2] =	stream.linear.gather [hbm4b:s6+s2], $0x80, $0x38;
	[tilespmem:$0x3F8] =	vst v63  }
0x27: {  	_ =	swait.ge [sflag:s17], $0x80  }
0x28: {  	[sflag:s17] =	ssyncset.done $0x0  }
0x29: {  	[sflag:s17] =	ssyncadd.s32 $0xFFFFFF80  }
0x2a: {  	[spmem:s1] =	stream.indirect.scatter.add.f32 [tilespmem:s18], [sflag:$0x3], $0x1, s2, s16, $0xb8;
	[tilespmem:$0x3F8] =	vst v63  }
0x2b: {  	_ =	swait.ge [sflag:s19], $0x80  }
0x2c: {  	p1 =	sle.u32 s4, $0x2;
	[sflag:s19] =	ssyncset.done $0x0  }
0x2d: {  	s24 =	sadd.s32 @!p1 $0x0, s13;
	s25 =	simm.s32 @!p1 $0x0;
	[sflag:s19] =	ssyncadd.s32 $0xFFFFFF80  }
0x2e: {  	[tilespmem:s25], [sflag:$0x1] =	stream.linear.gather @!p1 [hbm4b:s24+s25], $0x80, $0x38;
	[tilespmem:$0x3F8] =	vst v63  }
0x2f: {  	p1 =	sne.s32 s11, $0x40;
	_ =	swait.ge [sflag:s20], $0x80  }
.Ltmp0:
0x30: {  	[sflag:s20] =	ssyncset.done $0x0;
	(pc) =	sbr.rel @!p1 .LBB2_3-.Ltmp0, $4  }
0x31: {  	p2 =	sle.u32 s4, $0x3;
	[sflag:s20] =	ssyncadd.s32 $0xFFFFFF80  }
0x32: {  	[spmem:s1] =	stream.indirect.scatter.add.f32 [tilespmem:s18], [sflag:$0x3], $0x1, s16, s16, $0xb8;
	[tilespmem:$0x3F8] =	vst v63  }
0x33: {  	s26 =	sadd.s32 @!p2 $0x0, s14;
	s28 =	simm.s32 @!p2 $0x0;
	_ =	swait.ge [sflag:s19], $0x80  }
0x34: {  	s25 =	simm.s32 $0x40;
	s24 =	simm.s32 $0x2;
	[sflag:s19] =	ssyncset.done $0x0  }
.LBB2_2:
0x35: {  	[sflag:s19] =	ssyncadd.s32 $0xFFFFFF80;
	s29 =	simm.s32 @!p2 $0x80  }
0x36: {  	s30 =	smov.u32 s25;
	s25 =	sadd.s32 $0x40, s25;
	s31 =	smov.u32 s24  }
0x37: {  	[tilespmem:s29], [sflag:$0x2] =	stream.linear.gather @!p2 [hbm4b:s26+s28], $0x80, $0x38;
	[tilespmem:$0x3F8] =	vst v63  }
0x38: {  	p1 =	sne.s32 s11, s25;
	_ =	swait.ge [sflag:s17], $0x80  }
0x39: {  	[sflag:s17] =	ssyncset.done $0x0  }
0x3a: {  	s24 =	sadd.s32 $0x2, s24;
	[sflag:s17] =	ssyncadd.s32 $0xFFFFFF80  }
0x3b: {  	[spmem:s1] =	stream.indirect.scatter.add.f32 [tilespmem:s18], [sflag:$0x3], $0x1, s2, s16, $0xb8;
	[tilespmem:$0x3F8] =	vst v63  }
0x3c: {  	p2 =	sge.u32 s24, s4;
	_ =	swait.ge [sflag:s19], $0x80  }
0x3d: {  	s26 =	sadd.s32 @!p2 s30, s13;
	s28 =	simm.s32 @!p2 $0x0;
	[sflag:s19] =	ssyncset.done $0x0  }
0x3e: {  	[sflag:s19] =	ssyncadd.s32 $0xFFFFFF80  }
0x3f: {  	[tilespmem:s28], [sflag:$0x1] =	stream.linear.gather @!p2 [hbm4b:s26+s28], $0x80, $0x38;
	[tilespmem:$0x3F8] =	vst v63  }
0x40: {  	_ =	swait.ge [sflag:s20], $0x80  }
.Ltmp1:
0x41: {  	[sflag:s20] =	ssyncset.done $0x0;
	(pc) =	sbr.rel @p1 .LBB2_2-.Ltmp1, $4  }
0x42: {  	s26 =	sadd.s32 $0x3, s31;
	[sflag:s20] =	ssyncadd.s32 $0xFFFFFF80  }
0x43: {  	[spmem:s1] =	stream.indirect.scatter.add.f32 [tilespmem:s18], [sflag:$0x3], $0x1, s16, s16, $0xb8;
	[tilespmem:$0x3F8] =	vst v63  }
0x44: {  	p2 =	sge.u32 s26, s4;
	_ =	swait.ge [sflag:s19], $0x80  }
0x45: {  	s26 =	sadd.s32 @!p2 s30, s14;
	s28 =	simm.s32 @!p2 $0x0;
	[sflag:s19] =	ssyncset.done $0x0  }
.LBB2_3:
0x46: {  	[sflag:s19] =	ssyncadd.s32 $0xFFFFFF80;
	s29 =	simm.s32 @!p2 $0x80  }
0x47: {  	[tilespmem:s29], [sflag:$0x2] =	stream.linear.gather @!p2 [hbm4b:s26+s28], $0x80, $0x38;
	[tilespmem:$0x3F8] =	vst v63  }
0x48: {  	_ =	swait.ge [sflag:s17], $0x80  }
0x49: {  	[sflag:s17] =	ssyncset.done $0x0  }
0x4a: {  	[sflag:s17] =	ssyncadd.s32 $0xFFFFFF80  }
0x4b: {  	[spmem:s1] =	stream.indirect.scatter.add.f32 [tilespmem:s18], [sflag:$0x3], $0x1, s2, s16, $0xb8;
	[tilespmem:$0x3F8] =	vst v63  }
0x4c: {  	s31 =	sadd.s32 $0x2, s24;
	_ =	swait.ge [sflag:s19], $0x80  }
0x4d: {  	p1 =	sge.u32 s31, s4;
	[sflag:s19] =	ssyncset.done $0x0  }
0x4e: {  	s25 =	sadd.s32 @!p1 s25, s12;
	s26 =	simm.s32 @!p1 $0x0;
	[sflag:s19] =	ssyncadd.s32 $0xFFFFFF80  }
0x4f: {  	[tilespmem:s26], [sflag:$0x1] =	stream.linear.gather @!p1 [hbm4b:s25+s26], $0x80, $0x38;
	[tilespmem:$0x3F8] =	vst v63  }
0x50: {  	_ =	swait.ge [sflag:s20], $0x80  }
0x51: {  	[sflag:s20] =	ssyncset.done $0x0  }
0x52: {  	[sflag:s20] =	ssyncadd.s32 $0xFFFFFF80  }
0x53: {  	[spmem:s1] =	stream.indirect.scatter.add.f32 [tilespmem:s18], [sflag:$0x3], $0x1, s16, s16, $0xb8;
	[tilespmem:$0x3F8] =	vst v63  }
0x54: {  	_ =	swait.ge [sflag:s19], $0x80  }
0x55: {  	s21 =	sadd.s32 $0x1, s21;
	p1 =	sge.u32 s24, s9;
	[sflag:s19] =	ssyncset.done $0x0  }
0x56: {  	s24 =	simm.s32 @!p1 $0x0;
	s25 =	simm.s32 @!p1 $0x80;
	[sflag:s19] =	ssyncadd.s32 $0xFFFFFF80  }
0x57: {  	[tilespmem:s25], [sflag:$0x2] =	stream.linear.gather @!p1 [hbm4b:s10+s24], $0x80, $0x38;
	[tilespmem:$0x3F8] =	vst v63  }
0x58: {  	s26 =	simm.s32 @!p0 $0x10;
	s24 =	simm.s32 @!p0 $0x1;
	p1 =	sne.s32 s21, s8  }
.Ltmp2:
0x59: {  	s25 =	simm.s32 @!p0 $0x20;
	[bflag:$0x0] =	sbarrier.arrive $0xFFFF;
	(pc) =	sbr.rel @p1 .LBB2_1-.Ltmp2, $4  }
0x5a: {  	[hbm:s7@s25], [sflag:s23] =	dma.strided @!p0 [spmem:s15@s26], $0x4F0, s24, $0x10   }
0x5b: {  	_ =	swait.ge @!p0 [sflag:s22], $0x4F0  }
0x5c: {  	[sflag:s22] =	ssyncset.done @!p0 $0x0  }
0x5d: {  	[sflag:s22] =	ssyncadd.s32 @!p0 $0xFFFFFB10  }
0x5e: {  	_ =	sfence.sel $0x180000  }
0x5f: {  	[bflag:$0x0] =	sbarrier.arrive $0xFFFF  }
0x60: {  	_ =	strace $0x90000047  }
0x61: {  	s0 =	sadd.s32 @!p0 $0x100000, s0;
	[bflag:$0x2] =	sbarrier.arrive $0xFFFF  }
0x62: {  	[sflag:s0] =	ssyncadd.tile.s32 @!p0 $0x1;
	_ =	shalt  }
.Lfunc_end2:
_tile_overlayer_lowered:
.L_overlay_start_2:
0x63: {  	(tag) =	ssettag $0x2  }
0x64: {  	s0 =	rddreg [dreg:$0x0];
	s2 =	stileid.u32  }
0x65: {  	s1 =	rddreg [dreg:$0x1];
	p0 =	sne.s32 s2, $0x0  }
0x66: {  	s3 =	rddreg [dreg:$0x2];
	[bflag:$0x3] =	sbarrier.arrive $0xFFFF;
	s2 =	simm.s32 @!p0 $0x1C03  }
0x67: {  	[timem:s3], [sflag:s2] =	dma.local @!p0 [hbm:s0], s1  }
0x68: {  	s0 =	simm.s32 @!p0 $0x3  }
0x69: {  	_ =	swait.ge @!p0 [sflag:s0], s1  }
0x6a: {  	s1 =	ssub.s32 @!p0 $0x0, s1;
	[sflag:s0] =	ssyncset.done @!p0 $0x0  }
0x6b: {  	[sflag:s0] =	ssyncadd.s32 @!p0 s1  }
0x6c: {  	[bflag:$0x3] =	sbarrier.arrive $0xFFFF  }
0x6d: {  	_ =	shalt  }

// kernel: kernel.9.cloned.1.call-start
scs
__scs_entry_jumppad:
0x0: {  	(pc) =	sbr.rel $0x88, $3  }
0x1: {  	(tag) =	ssettag $0x0;
	lr =	simm.s32 $0x1  }
0x2: {  	[smem:$0x3F9D] =	sst lr;
	_ =	strace $0xD0000000  }
0x3: {  	_ = 	snop  }
0x4: {  	_ = 	snop  }
0x5: {  	_ = 	snop  }
0x6: {  	_ = 	snop  }
0x7: {  	_ = 	snop  }
__scs_overlays_trampoline_lowered:
0x8: {  	[smem:$0x3FAC] =	sst s0  }
0x9: {  	[smem:$0x3FAD] =	sst s1  }
0xa: {  	[smem:$0x3FAE] =	sst s2  }
0xb: {  	[smem:$0x3FAF] =	sst s3  }
0xc: {  	[smem:$0x3FB0] =	sst s4  }
0xd: {  	[smem:$0x3FB1] =	sst s5  }
0xe: {  	[smem:$0x3FB2] =	sst s6  }
0xf: {  	[smem:$0x3FB3] =	sst s7  }
0x10: {  	[smem:$0x3FB4] =	sst s8  }
0x11: {  	[smem:$0x3FB5] =	sst s9;
	s0 =	simm.s32 @!p0 $0x0  }
0x12: {  	s1 =	sld [smem:$0x3F9B];
	s0 =	simm.s32 @p0 $0x1  }
0x13: {  	[smem:$0x3FB6] =	sst s0;
	s0 =	simm.s32 @!p1 $0x0  }
0x14: {  	s2 =	sld [smem:$0x3F9A];
	s0 =	simm.s32 @p1 $0x1  }
0x15: {  	[smem:$0x3FB7] =	sst s0;
	s0 =	simm.s32 @!p2 $0x0  }
0x16: {  	s3 =	sld [smem:$0x3FDB];
	s0 =	simm.s32 @p2 $0x1  }
0x17: {  	s4 =	simm.s32 $0x1BF5;
	[smem:$0x3FB9] =	sst s0  }
0x18: {  	s0 =	sld [smem:$0x3F9C];
	_ =	swait.ge [sflag:s4], $0x0  }
0x19: {  	s7 =	sld [smem:$0x3F9D]  }
0x1a: {  	s8 =	sadd.s32 $0xFFFFE003, lr  }
0x1b: {  	s9 =	sadd.s32 $0xFFFFFEF7, lr;
	s5 =	simm.s32 $0xFFFFFFFF;
	p2 =	slt.u32 s8, $0xFFFFF086  }
0x1c: {  	p1 =	slt.u32 s9, $0xF7A;
	s5 =	simm.s32 @!p2 $0x0  }
0x1d: {  	s5 =	simm.s32 @p1 $0x1;
	p0 =	seq.s32 s7, s2  }
0x1e: {  	s7 =	smul.u32 @!p0 $0xF7A, s2;
	p2 =	seq.s32 @!p0 s5, $0x0  }
0x1f: {  	s9 =	smul.u32 $0xF7A, s1;
	s8 =	simm.s32 @!p0 $0x1BF5;
	p2 =	por !p2, p0  }
0x20: {  	[sflag:s8] =	ssyncset.s32 @!p0 $0xFFFFF086;
	s6 =	sadd.s32 @!p0 s3, s7;
	s7 =	simm.s32 @!p0 $0x108  }
0x21: {  	s3 =	sadd.s32 s3, s9;
	s6 =	sadd.s32 @!p0 $0x88, s6;
	s7 =	simm.s32 @p2 $0x1082  }
0x22: {  	[simem:s7], [sflag:s8] =	dma.local @!p0 [hbm:s6], $0xF7A  }
0x23: {  	s9 =	sor.u32 $0xD0000000, s2;
	s6 =	simm.s32 $0x108;
	_ =	swait.ge @!p0 [sflag:s8], $0x0  }
0x24: {  	s3 =	sadd.s32 $0x88, s3;
	s6 =	simm.s32 @!p1 $0x1082;
	[sflag:s4] =	ssyncset.s32 $0xFFFFF086  }
0x25: {  	[simem:s6], [sflag:s4] =	dma.local [hbm:s3], $0xF7A  }
0x26: {  	[smem:$0x3F9D] =	sst s1;
	(tag) =	ssettag s2;
	_ =	strace s9  }
0x27: {  	s1 =	sld [smem:$0x3FAD]  }
0x28: {  	s2 =	sld [smem:$0x3FAE]  }
0x29: {  	s4 =	sld [smem:$0x3FB0]  }
0x2a: {  	p0 =	seq.s32 s5, $0x0;
	s5 =	sld [smem:$0x3FB1]  }
0x2b: {  	s6 =	sld [smem:$0x3FB2]  }
0x2c: {  	s7 =	sld [smem:$0x3FB3]  }
0x2d: {  	s3 =	simm.s32 $0x108;
	s8 =	sld [smem:$0x3FB4]  }
0x2e: {  	s3 =	simm.s32 @!p0 $0x1082;
	s9 =	sld [smem:$0x3FB5]  }
0x2f: {  	lr =	sadd.s32 s0, s3;
	s0 =	sld [smem:$0x3FAC]  }
0x30: {  	s3 =	sld [smem:$0x3FAF]  }
0x31: {  	[smem:$0x3FB8] =	sst s10  }
0x32: {  	s10 =	sld [smem:$0x3FB6];
	_ =	sdelay $0x3  }
0x33: {  	p0 =	seq.s32 s10, $0x1;
	s10 =	sld [smem:$0x3FB8];
	_ =	sdelay $0x3  }
0x34: {  	[smem:$0x3FB8] =	sst s10  }
0x35: {  	s10 =	sld [smem:$0x3FB7];
	_ =	sdelay $0x3  }
0x36: {  	p1 =	seq.s32 s10, $0x1;
	s10 =	sld [smem:$0x3FB8];
	_ =	sdelay $0x3  }
0x37: {  	[smem:$0x3FB8] =	sst s10  }
0x38: {  	s10 =	sld [smem:$0x3FB9]  }
0x39: {  	_ = 	snop;
	(pc) =	sbr.ind lr, $3  }
0x3a: {  	_ = 	snop  }
0x3b: {  	_ = 	snop  }
0x3c: {  	p2 =	seq.s32 s10, $0x1;
	s10 =	sld [smem:$0x3FB8]  }
0x3d: {  	_ =	shalt  }
0x3e: {  	_ =	shalt  }
0x3f: {  	_ =	shalt  }
0x40: {  	_ =	shalt  }
0x41: {  	_ =	shalt  }
0x42: {  	_ =	shalt  }
0x43: {  	_ =	shalt  }
0x44: {  	_ =	shalt  }
0x45: {  	_ =	shalt  }
0x46: {  	_ =	shalt  }
0x47: {  	_ =	shalt  }
0x48: {  	_ =	shalt  }
0x49: {  	_ =	shalt  }
0x4a: {  	_ =	shalt  }
0x4b: {  	_ =	shalt  }
0x4c: {  	_ =	shalt  }
0x4d: {  	_ =	shalt  }
0x4e: {  	_ =	shalt  }
0x4f: {  	_ =	shalt  }
0x50: {  	_ =	shalt  }
0x51: {  	_ =	shalt  }
0x52: {  	_ =	shalt  }
0x53: {  	_ =	shalt  }
0x54: {  	_ =	shalt  }
0x55: {  	_ =	shalt  }
0x56: {  	_ =	shalt  }
0x57: {  	_ =	shalt  }
0x58: {  	_ =	shalt  }
0x59: {  	_ =	shalt  }
0x5a: {  	_ =	shalt  }
0x5b: {  	_ =	shalt  }
0x5c: {  	_ =	shalt  }
0x5d: {  	_ =	shalt  }
0x5e: {  	_ =	shalt  }
0x5f: {  	_ =	shalt  }
0x60: {  	_ =	shalt  }
0x61: {  	_ =	shalt  }
0x62: {  	_ =	shalt  }
0x63: {  	_ =	shalt  }
0x64: {  	_ =	shalt  }
0x65: {  	_ =	shalt  }
0x66: {  	_ =	shalt  }
0x67: {  	_ =	shalt  }
0x68: {  	_ =	shalt  }
0x69: {  	_ =	shalt  }
0x6a: {  	_ =	shalt  }
0x6b: {  	_ =	shalt  }
0x6c: {  	_ =	shalt  }
0x6d: {  	_ =	shalt  }
0x6e: {  	_ =	shalt  }
0x6f: {  	_ =	shalt  }
0x70: {  	_ =	shalt  }
0x71: {  	_ =	shalt  }
0x72: {  	_ =	shalt  }
0x73: {  	_ =	shalt  }
0x74: {  	_ =	shalt  }
0x75: {  	_ =	shalt  }
0x76: {  	_ =	shalt  }
0x77: {  	_ =	shalt  }
0x78: {  	_ =	shalt  }
0x79: {  	_ =	shalt  }
0x7a: {  	_ =	shalt  }
0x7b: {  	_ =	shalt  }
0x7c: {  	_ =	shalt  }
0x7d: {  	_ =	shalt  }
0x7e: {  	_ =	shalt  }
0x7f: {  	_ =	shalt  }
0x80: {  	_ =	shalt  }
0x81: {  	_ =	shalt  }
0x82: {  	_ =	shalt  }
0x83: {  	_ =	shalt  }
0x84: {  	_ =	shalt  }
0x85: {  	_ =	shalt  }
0x86: {  	_ =	shalt  }
0x87: {  	_ =	shalt  }
.Lfunc_end0:
.L_simem_size_0:
called_computation.1_lowered:
.L_overlay_start_0:
0x88: {  	s2 =	sld [smem:$0x3FD9]  }
0x89: {  	s3 =	sld [smem:$0x3FFE];
	_ =	sdelay $0x1  }
0x8a: {  	s1 =	srdreg.scid  }
0x8b: {  	s0 =	sand.u32 $0x1, s1  }
0x8c: {  	s17 =	sshll.u32 s0, $0xA;
	s2 =	sadd.s32 s3, s2  }
0x8d: {  	s2 =	sadd.s32 s2, s17  }
0x8e: {  	[smem:$0x3FC4] =	sst s2  }
0x8f: {  	_ = 	snop  }
0x90: {  	s2 =	sld [smem:$0x3FC8]  }
0x91: {  	s18 =	sld [smem:$0x3FD0];
	(tm) =	ssettm $0x1  }
0x92: {  	s4 =	sld [smem:$0x3FFB];
	_ =	sdelay $0x3  }
0x93: {  	_ =	strace s4  }
0x94: {  	s4 =	sld [smem:$0x3FFC];
	_ =	sdelay $0x3  }
0x95: {  	_ =	strace s4  }
0x96: {  	s4 =	sld [smem:$0x3FFD];
	_ =	sdelay $0x3  }
0x97: {  	_ =	strace s4  }
0x98: {  	_ =	strace $0x8FFFFFFF  }
0x99: {  	s19 =	sld [smem:$0x3FDB];
	_ =	sdelay $0x1  }
0x9a: {  	s5 =	simm.s32 $_scs_section_size  }
0x9b: {  	s6 =	simm.s32 $_size__tile_overlayer_lowered;
	s7 =	simm.s32 $_tile_overlayer_lowered  }
0x9c: {  	s22 =	simm.s32 $0x1BFF;
	s21 =	sshll.u32 s7, $0x1;
	s4 =	sadd.s32 s5, s19  }
0x9d: {  	s8 =	simm.s32 $0x0;
	s20 =	sshll.u32 s6, $0x1;
	s6 =	sadd.s32 s21, s4  }
0x9e: {  	[timem:s8], [sflag:s22] =	dma.local [hbm:s6], s20  }
0x9f: {  	_ =	swait.ge [sflag:s22], s20  }
0xa0: {  	s5 =	ssub.s32 $0x0, s20;
	[sflag:s22] =	ssyncset.done $0x0  }
0xa1: {  	[sflag:s22] =	ssyncadd.s32 s5;
	_ =	sdelay $0x1  }
0xa2: {  	s23 =	simm.s32 $0x1B8B  }
0xa3: {  	_ =	swait.ge [sflag:s23], $0x1  }
0xa4: {  	[sflag:s23] =	ssyncset.done $0x0  }
0xa5: {  	s25 =	simm.s32 $0x1B8E;
	s24 =	sld [smem:$0x3FFE];
	[sflag:s23] =	ssyncadd.s32 $0xFFFFFFFF  }
0xa6: {  	s26 =	simm.s32 $execute0_lowered;
	[smem:$0x3FD2] =	sst s25  }
0xa7: {  	s6 =	sshll.u32 s26, $0x1;
	_ =	strace $0x80000049;
	[dreg:$0x1] =	wrdreg $0xFFFFFFFF  }
0xa8: {  	s28 =	simm.s32 $_size_execute0_lowered;
	s4 =	sadd.s32 s4, s6;
	[dreg:$0x0] =	wrdreg $0x0  }
0xa9: {  	s6 =	sshll.u32 s28, $0x1;
	[dreg:$0x2] =	wrdreg s4  }
0xaa: {  	[dreg:$0x3] =	wrdreg s6  }
0xab: {  	[dreg:$0x4] =	wrdreg $0xC0  }
0xac: {  	_ =	task [dreg:s8], $0x5FFFF  }
0xad: {  	[dreg:$0x1] =	wrdreg $0xFFFFFFFF  }
0xae: {  	[dreg:$0x0] =	wrdreg $0x60  }
0xaf: {  	[dreg:$0x2] =	wrdreg s2  }
0xb0: {  	[dreg:$0x3] =	wrdreg s18  }
0xb1: {  	[dreg:$0x4] =	wrdreg s24  }
0xb2: {  	[dreg:$0x5] =	wrdreg $0x82000  }
0xb3: {  	[dreg:$0x6] =	wrdreg $0x9  }
0xb4: {  	_ =	task.clear_ibuf [dreg:s8], $0x7FFFF;
	_ =	strace $0x90000049  }
0xb5: {  	s29 =	simm.s32 $0x9;
	_ =	strace $0x8000004B  }
0xb6: {  	_ =	swait.ge [sflag:s29], $0x1  }
0xb7: {  	[sflag:s29] =	ssyncadd.s32 $0xFFFFFFFF  }
0xb8: {  	_ =	strace $0x9000004B  }
0xb9: {  	_ =	sfence  }
0xba: {  	s30 =	sld [smem:$0x0];
	_ =	sdelay $0x2  }
0xbb: {  	s31 =	sshll.u32 s1, $0xD;
	s1 =	sshrl.u32 s1, $0x2  }
0xbc: {  	s3 =	sand.u32 $0x4000, s31;
	s1 =	sadd.s32 s1, s30  }
0xbd: {  	s0 =	sor.u32 s3, s0;
	s1 =	sshll.u32 s1, $0x11  }
0xbe: {  	s0 =	sor.u32 s1, s0  }
0xbf: {  	s0 =	sadd.s32 $0x8F2B, s0  }
0xc0: {  	[sflag:s0] =	ssyncadd.remote.s32 $0x1  }
0xc1: {  	_ =	sfence.sel $0xFFFF  }
0xc2: {  	[dreg:$0x0] =	wrdreg $0xFFFFFFFF;
	(pc) =	sbr.abs _section_cstart, $3  }
0xc3: {  	[dreg:$0x1] =	wrdreg $0xFFFFFFFF  }
0xc4: {  	_ =	task.clear_ibuf [dreg:s8], $0x2FFFF;
	_ =	strace $0x9FFFFFFF  }
0xc5: {  	(tm) =	ssettm $0x7FFFFFFF  }
tec
execute0_lowered:
.L_overlay_start_1:
0x0: {  	(tag) =	ssettag $0x1  }
0x1: {  	s11 =	rddreg [dreg:$0x0]  }
0x2: {  	s0 =	rddreg [dreg:$0x1]  }
0x3: {  	s5 =	rddreg [dreg:$0x2]  }
0x4: {  	s1 =	srdreg.scid;
	s3 =	rddreg [dreg:$0x3]  }
0x5: {  	s2 =	stileid.u32;
	s4 =	simm.s32 $0x0;
	s18 =	simm.s32 $0x3  }
0x6: {  	s19 =	simm.s32 $0x6;
	s21 =	simm.s32 $0x180;
	s8 =	smul.u32 $0x1F400, s2  }
0x7: {  	s20 =	simm.s32 $0x4;
	s22 =	simm.s32 $0x7;
	s9 =	smul.u32 $0x3E80, s2  }
0x8: {  	s23 =	simm.s32 $0x8;
	s6 =	sand.u32 $0x1, s1;
	s12 =	smul.u32 $0x7D000, s2  }
0x9: {  	[smem:$0x7FF] =	sst s4;
	s24 =	sshll.u32 s2, $0x1;
	s14 =	smul.u32 $0x9C, s2  }
0xa: {  	p0 =	seq.s32 s2, $0xF;
	s31 =	sadd.s32 $0x20, s11;
	s7 =	smul.u32 $0x138800, s6  }
0xb: {  	_ =	strace $0x8000004A;
	s26 =	ssub.s32 $0x2, s6;
	[dreg:$0x9] =	wrdreg s21  }
0xc: {  	s21 =	simm.s32 $0x4200;
	s9 =	sadd.s32 s9, s5;
	s13 =	sshrl.u32 s26, $0x1  }
0xd: {  	s12 =	sshrl.u32 s12, $0x2;
	s7 =	sadd.s32 s8, s7;
	s8 =	sor.u32 s6, s24  }
0xe: {  	s13 =	ssub.s32 s26, s13;
	s6 =	smul.u32 $0x4E, s6;
	s24 =	simm.s32 $0x0  }
0xf: {  	s7 =	sshrl.u32 s7, $0x3;
	s25 =	smul.u32 $0x4E, s8;
	s8 =	smax.u32 s8, $0x1E  }
0x10: {  	s10 =	sadd.s32 s7, s5;
	s8 =	sshll.u32 s8, $0x1;
	s6 =	sadd.s32 s6, s14  }
0x11: {  	s14 =	sadd.s32 s12, s3;
	s5 =	sadd.s32 s8, s25;
	s8 =	sadd.s32 s8, s6  }
0x12: {  	s6 =	sadd.s32 $0x4FE00, s9;
	s28 =	sshll.u32 s5, $0x5;
	s5 =	simm.s32 $0x50  }
0x13: {  	s10 =	sadd.s32 $0x77000, s10;
	s15 =	sshll.u32 s8, $0x5;
	s5 =	simm.s32 @!p0 $0x4E  }
0x14: {  	s29 =	sadd.s32 $0xFFFFF880, s28;
	s16 =	sadd.s32 $0xFFFFF880, s15;
	s15 =	sadd.s32 $0xFFFFF8C0, s15  }
0x15: {  	p0 =	sgt.u32 s2, $0x9;
	s7 =	sadd.s32 s11, s29;
	s30 =	sand.u32 $0x1FFFFFC0, s29  }
0x16: {  	s16 =	sand.u32 $0xFFFFC0, s16;
	s17 =	sshll.u32 s5, $0x5;
	s8 =	sadd.s32 s30, s31  }
0x17: {  	s9 =	sadd.s32 $0x10, s7;
	s16 =	sadd.s32 s16, s11;
	[dreg:$0x5] =	wrdreg s17  }
0x18: {  	s11 =	sadd.s32 s11, s15;
	s15 =	sand.u32 $0xFFFFC0, s15;
	s17 =	simm.s32 $0x5  }
0x19: {  	s16 =	sadd.s32 $0x30, s16;
	[dreg:$0x7] =	wrdreg s11;
	s12 =	sadd.s32 s15, s31  }
0x1a: {  	s11 =	smax.u32 s13, $0x1;
	s13 =	sshrl.u32 @!p0 s14, $0x3;
	s14 =	simm.s32 $0x80  }
0x1b: {  	s15 =	simm.s32 $0x100;
	[dreg:$0x8] =	wrdreg s12;
	s12 =	sshll.u32 @!p0 s2, $0x6  }
0x1c: {  	[dreg:$0x6] =	wrdreg s16;
	s16 =	simm.s32 $0x200;
	s12 =	sor.u32 @!p0 $0x1C09, s12  }
.LBB2_1:
0x1d: {  	[spmem:s13], [sflag:s12] =	dma.local @!p0 [hbm:s6], $0x3E80  }
0x1e: {  	s25 =	simm.s32 @!p0 $0x9  }
0x1f: {  	_ =	swait.ge @!p0 [sflag:s25], $0x3E80  }
0x20: {  	[sflag:s25] =	ssyncset.done @!p0 $0x0  }
0x21: {  	[sflag:s25] =	ssyncadd.s32 @!p0 $0xFFFFC180  }
0x22: {  	[bflag:$0x0] =	sbarrier.arrive $0xFFFF  }
0x23: {  	[tilespmem:s4], [sflag:$0x1] =	stream.linear.gather [hbm4b:s7+s4], $0x80, $0x38;
	[tilespmem:$0x1BA80] =	vst v63  }
0x24: {  	_ = 	snop  }
0x25: {  	[tilespmem:s14], [sflag:$0x2] =	stream.linear.gather [hbm4b:s8+s4], $0x80, $0x38;
	[tilespmem:$0x1BA80] =	vst v63  }
0x26: {  	s25 =	simm.s32 $0x1  }
0x27: {  	[tilespmem:s15], [sflag:$0x3] =	stream.linear.gather [hbm4b:s9+s4], $0x80, $0x38;
	[tilespmem:$0x1BA80] =	vst v63  }
0x28: {  	_ =	swait.ge [sflag:s25], $0x80  }
0x29: {  	[sflag:s25] =	ssyncset.done $0x0  }
0x2a: {  	s26 =	simm.s32 $0x0;
	[sflag:s25] =	ssyncadd.s32 $0xFFFFFF80  }
0x2b: {  	[tilespmem:s16], [sflag:$0x5] =	stream.indirect.gather [hbm4b:s0+s14], $0x80, s4, s14, $0xb8;
	[tilespmem:$0x1BA80] =	vst v63  }
.LBB2_2:
0x2c: {  	_ =	swait.ge [sflag:s17], $0x4000  }
0x2d: {  	[sflag:s17] =	ssyncset.done $0x0  }
0x2e: {  	[sflag:s17] =	ssyncadd.s32 $0xFFFFC000  }
0x2f: {  	_ =	swait.ge [sflag:s18], $0x80  }
0x30: {  	s29 =	sadd.s32 $0x1, s25;
	p2 =	seq.s32 s26, $0x0;
	[sflag:s18] =	ssyncset.done $0x0  }
0x31: {  	p1 =	sge.u32 s29, s5;
	s28 =	rddreg [dreg:$0x7];
	[sflag:s18] =	ssyncadd.s32 $0xFFFFFF80  }
0x32: {  	[spmem:s3] =	stream.indirect.scatter.add.f32 [tilespmem:s16], [sflag:$0x7], $0x80, s15, s14, $0xb8;
	[tilespmem:$0x1BA80] =	vst v63  }
0x33: {  	s30 =	simm.s32 @!p2 $0x8;
	s29 =	simm.s32 @!p1 $0x0;
	s28 =	sadd.s32 @!p1 s26, s28  }
0x34: {  	[tilespmem:s29], [sflag:$0x1] =	stream.linear.gather @!p1 [hbm4b:s28+s29], $0x80, $0x38;
	[tilespmem:$0x1BA80] =	vst v63  }
0x35: {  	_ =	swait.ge @!p2 [sflag:s30], $0x4000  }
0x36: {  	[sflag:s30] =	ssyncset.done @!p2 $0x0  }
0x37: {  	s31 =	rddreg [dreg:$0x6];
	[sflag:s30] =	ssyncadd.s32 @!p2 $0xFFFFC000;
	p2 =	sge.u32 s25, s5  }
0x38: {  	s30 =	sadd.s32 @!p2 s26, s31;
	s31 =	simm.s32 @!p2 $0x0;
	s1 =	simm.s32 @!p2 $0x180  }
0x39: {  	[tilespmem:s1], [sflag:$0x4] =	stream.linear.gather @!p2 [hbm4b:s30+s31], $0x80, $0x38;
	[tilespmem:$0x1BA80] =	vst v63  }
0x3a: {  	s1 =	simm.s32 @!p2 $0x2  }
0x3b: {  	_ =	swait.ge @!p2 [sflag:s1], $0x80  }
0x3c: {  	[sflag:s1] =	ssyncset.done @!p2 $0x0  }
0x3d: {  	s30 =	simm.s32 @!p2 $0x4200;
	[sflag:s1] =	ssyncadd.s32 @!p2 $0xFFFFFF80;
	s1 =	simm.s32 @!p2 $0x80  }
0x3e: {  	[tilespmem:s30], [sflag:$0x6] =	stream.indirect.gather @!p2 [hbm4b:s0+s1], $0x80, s1, s1, $0xb8;
	[tilespmem:$0x1BA80] =	vst v63  }
0x3f: {  	_ =	swait.ge [sflag:s19], $0x4000  }
0x40: {  	[sflag:s19] =	ssyncset.done $0x0  }
0x41: {  	[sflag:s19] =	ssyncadd.s32 $0xFFFFC000  }
0x42: {  	_ =	swait.ge [sflag:s20], $0x80  }
0x43: {  	s25 =	sadd.s32 $0x2, s25;
	s30 =	rddreg [dreg:$0x9];
	[sflag:s20] =	ssyncset.done $0x0  }
0x44: {  	p2 =	sge.u32 s25, s5;
	s1 =	rddreg [dreg:$0x8];
	[sflag:s20] =	ssyncadd.s32 $0xFFFFFF80  }
0x45: {  	[spmem:s3] =	stream.indirect.scatter.add.f32 [tilespmem:s21], [sflag:$0x8], $0x80, s30, s14, $0xb8;
	[tilespmem:$0x1BA80] =	vst v63  }
0x46: {  	s31 =	simm.s32 @!p2 $0x80;
	s1 =	sadd.s32 @!p2 s26, s1;
	s30 =	simm.s32 @!p2 $0x0  }
0x47: {  	[tilespmem:s31], [sflag:$0x2] =	stream.linear.gather @!p2 [hbm4b:s1+s30], $0x80, $0x38;
	[tilespmem:$0x1BA80] =	vst v63  }
0x48: {  	_ =	swait.ge [sflag:s22], $0x4000  }
0x49: {  	[sflag:s22] =	ssyncset.done $0x0  }
0x4a: {  	s1 =	sadd.s32 @!p1 $0x10, s28;
	s28 =	simm.s32 @!p1 $0x100;
	[sflag:s22] =	ssyncadd.s32 $0xFFFFC000  }
0x4b: {  	[tilespmem:s28], [sflag:$0x3] =	stream.linear.gather @!p1 [hbm4b:s1+s29], $0x80, $0x38;
	[tilespmem:$0x1BA80] =	vst v63  }
0x4c: {  	s1 =	simm.s32 @!p1 $0x1  }
0x4d: {  	_ =	swait.ge @!p1 [sflag:s1], $0x80  }
0x4e: {  	s26 =	sadd.s32 $0x40, s26;
	s28 =	simm.s32 @!p1 $0x200;
	[sflag:s1] =	ssyncset.done @!p1 $0x0  }
0x4f: {  	s31 =	rddreg [dreg:$0x5];
	[sflag:s1] =	ssyncadd.s32 @!p1 $0xFFFFFF80;
	s1 =	simm.s32 @!p1 $0x80  }
0x50: {  	[tilespmem:s28], [sflag:$0x5] =	stream.indirect.gather @!p1 [hbm4b:s0+s1], $0x80, s29, s1, $0xb8;
	[tilespmem:$0x1BA80] =	vst v63  }
0x51: {  	p1 =	sne.s32 s31, s26  }
.Ltmp0:
0x52: {  	_ = 	snop;
	(pc) =	sbr.rel @p1 .LBB2_2-.Ltmp0, $1  }
0x53: {  	_ =	sdelay $0x3  }
0x54: {  	_ =	swait.ge [sflag:s23], $0x4000  }
0x55: {  	s24 =	sadd.s32 $0x1, s24;
	[sflag:s23] =	ssyncset.done $0x0  }
0x56: {  	p1 =	sne.s32 s24, s11;
	[sflag:s23] =	ssyncadd.s32 $0xFFFFC000  }
.Ltmp1:
0x57: {  	s1 =	simm.s32 @!p0 $0x9;
	[bflag:$0x0] =	sbarrier.arrive $0xFFFF;
	(pc) =	sbr.rel @p1 .LBB2_1-.Ltmp1, $4  }
0x58: {  	[hbm:s10], [sflag:s12] =	dma.local @!p0 [spmem:s13], $0x3E80  }
0x59: {  	_ =	swait.ge @!p0 [sflag:s1], $0x3E80  }
0x5a: {  	[sflag:s1] =	ssyncset.done @!p0 $0x0  }
0x5b: {  	[sflag:s1] =	ssyncadd.s32 @!p0 $0xFFFFC180  }
0x5c: {  	_ =	sfence.sel $0x180000  }
0x5d: {  	[bflag:$0x0] =	sbarrier.arrive $0xFFFF  }
0x5e: {  	_ =	strace $0x9000004A  }
0x5f: {  	[bflag:$0x2] =	sbarrier.arrive $0xFFFF  }
0x60: {  	p0 =	sne.s32 s2, $0x0;
	s0 =	rddreg [dreg:$0x4]  }
0x61: {  	s0 =	sadd.s32 @!p0 $0x100000, s0  }
0x62: {  	[sflag:s0] =	ssyncadd.tile.s32 @!p0 $0x1;
	_ =	shalt  }
.Lfunc_end2:
_tile_overlayer_lowered:
.L_overlay_start_2:
0x63: {  	(tag) =	ssettag $0x2  }
0x64: {  	s0 =	rddreg [dreg:$0x0];
	s2 =	stileid.u32  }
0x65: {  	s1 =	rddreg [dreg:$0x1];
	p0 =	sne.s32 s2, $0x0  }
0x66: {  	s3 =	rddreg [dreg:$0x2];
	[bflag:$0x3] =	sbarrier.arrive $0xFFFF;
	s2 =	simm.s32 @!p0 $0x1C09  }
0x67: {  	[timem:s3], [sflag:s2] =	dma.local @!p0 [hbm:s0], s1  }
0x68: {  	s0 =	simm.s32 @!p0 $0x9  }
0x69: {  	_ =	swait.ge @!p0 [sflag:s0], s1  }
0x6a: {  	s1 =	ssub.s32 @!p0 $0x0, s1;
	[sflag:s0] =	ssyncset.done @!p0 $0x0  }
0x6b: {  	[sflag:s0] =	ssyncadd.s32 @!p0 s1  }
0x6c: {  	[bflag:$0x3] =	sbarrier.arrive $0xFFFF  }
0x6d: {  	_ =	shalt  }

</sc_bundles>
